<compile_context>
chip_gen: v7x
topology: tpu7x:2x2x1
jax: 0.10.2.dev20260603
libtpu: 0.0.44.dev20260713+nightly
codegen_flags: <defaults>
</compile_context>

<pallas_src>
import functools

import jax
import jax.numpy as jnp
from jax import lax
from jax.experimental import pallas as pl
from jax.experimental.pallas import tpu as pltpu
from jax.experimental.pallas import tpu_sc as plsc

B, S, D = 4096, 50, 32
QS, US, VS, CS = 100000, 1000000, 100, 2
SMALL = VS + CS + S
SPAD = 256
BS = B * S
UBLK, QBLK = 31744, 4096
USP = ((US + 2 * UBLK - 1) // (2 * UBLK)) * 2 * UBLK
QSP = ((QS + QBLK - 1) // QBLK) * QBLK
UPS = USP // 2
NCH_F = 10



def _proj_body_f32(x_ref, w_ref, o_ref):
    o_ref[...] = jnp.sum(x_ref[...] * w_ref[...], axis=0)


def _rne_bf16_bits(x):
    r = lax.bitcast_convert_type(x, jnp.int32)
    return lax.shift_right_logical(
        r + 0x7FFF + lax.bitwise_and(lax.shift_right_logical(r, 16), 1), 16)


def _pack_body(xa_ref, xb_ref, xq_ref, wu_ref, wq_ref, o_ref, oq_ref):
    a = jnp.sum(xa_ref[...] * wu_ref[...], axis=0)
    b = jnp.sum(xb_ref[...] * wu_ref[...], axis=0)
    o_ref[...] = lax.bitwise_or(_rne_bf16_bits(a),
                                lax.shift_left(_rne_bf16_bits(b), 16))
    oq_ref[...] = jnp.sum(xq_ref[...] * wq_ref[...], axis=0)


def _project_pack(table_t, q_t, wu_col, wq_col, blk, nblk, qblk, qnblk):
    qlast = qnblk - 1
    out, outq = pl.pallas_call(
        _pack_body,
        grid=(nblk,),
        in_specs=[
            pl.BlockSpec((D, blk), lambda i: (0, i)),
            pl.BlockSpec((D, blk), lambda i: (0, i + nblk)),
            pl.BlockSpec((D, qblk), lambda i: (0, jnp.minimum(i, qlast))),
            pl.BlockSpec((D, 1), lambda i: (0, 0)),
            pl.BlockSpec((D, 1), lambda i: (0, 0)),
        ],
        out_specs=(pl.BlockSpec((blk,), lambda i: (i,)),
                   pl.BlockSpec((qblk,), lambda i: (jnp.minimum(i, qlast),))),
        out_shape=(jax.ShapeDtypeStruct((nblk * blk,), jnp.int32),
                   jax.ShapeDtypeStruct((qnblk * qblk,), jnp.float32)),
    )(table_t, table_t, q_t, wu_col, wq_col)
    return out, outq


def _project(table_t, w_col, blk, dtype=jnp.float32):
    n = table_t.shape[1]
    grid = (n + blk - 1) // blk
    body = _proj_body_f32
    out = pl.pallas_call(
        body,
        grid=(grid,),
        in_specs=[
            pl.BlockSpec((D, blk), lambda i: (0, i)),
            pl.BlockSpec((D, 1), lambda i: (0, 0)),
        ],
        out_specs=pl.BlockSpec((blk,), lambda i: (i,)),
        out_shape=jax.ShapeDtypeStruct((grid * blk,), dtype),
    )(table_t, w_col)
    return out


def _small_body(x_ref, we_ref, wr_ref, be_ref, br_ref, oe_ref, or_ref,
                ov_ref):
    x = x_ref[...]
    oe = jnp.sum(x * we_ref[...], axis=1, keepdims=True) + be_ref[...]
    orr = jnp.sum(x * wr_ref[...], axis=1, keepdims=True) + br_ref[...]
    oe_ref[...] = oe
    or_ref[...] = orr
    ov_ref[...] = lax.bitwise_or(_rne_bf16_bits(oe),
                                 lax.shift_left(_rne_bf16_bits(orr), 16))


def _project_small(small_table, w_e_mat, w_r_mat, bias_e, bias_r):
    oe, orr, ov = pl.pallas_call(
        _small_body,
        out_shape=(
            jax.ShapeDtypeStruct((SPAD, 1), jnp.float32),
            jax.ShapeDtypeStruct((SPAD, 1), jnp.float32),
            jax.ShapeDtypeStruct((SPAD, 1), jnp.int32),
        ),
    )(small_table, w_e_mat, w_r_mat, bias_e, bias_r)
    return oe[:, 0], orr[:, 0], ov[:, 0]



def _make_sc_exam():
    info = plsc.get_sparse_core_info()
    nc, ns = info.num_cores, info.num_subcores
    nw = nc * ns
    chunk = BS // nw
    groups = chunk // 16

    mesh = plsc.VectorSubcoreMesh(core_axis_name="c", subcore_axis_name="s")

    @functools.partial(
        pl.kernel,
        mesh=mesh,
        out_type=(
            jax.ShapeDtypeStruct((BS,), jnp.float32),
            jax.ShapeDtypeStruct((BS,), jnp.float32),
        ),
        scratch_types=[
            pltpu.VMEM((chunk,), jnp.int32),
            pltpu.VMEM((chunk,), jnp.int32),
            pltpu.VMEM((chunk,), jnp.int32),
            pltpu.VMEM((chunk,), jnp.float32),
            pltpu.VMEM((chunk,), jnp.float32),
            pltpu.VMEM((16,), jnp.float32),
            pltpu.VMEM((16,), jnp.float32),
            pltpu.VMEM((chunk,), jnp.float32),
            pltpu.VMEM((chunk,), jnp.float32),
            pltpu.VMEM_SHARED((128,), jnp.int32),
            pltpu.SemaphoreType.DMA,
        ],
    )
    def sc_exam(vids_hbm, clicks_hbm, vpk_hbm, pe_hbm, pr_hbm,
                dce_hbm, dcr_hbm, ex_hbm, rp_hbm,
                vi_v, ci_v, vv_v, pe_v, pr_v, dce_v, dcr_v, oe_v, orp_v,
                v_sh, sem0):
        sid = lax.axis_index("s")
        wid = sid * nc + lax.axis_index("c")
        base = wid * chunk
        sl_all = pl.ds(base, chunk)

        @pl.when(sid == 0)
        def _stage_small():
            pltpu.sync_copy(vpk_hbm, v_sh)

        pltpu.sync_copy(vids_hbm.at[sl_all], vi_v)
        pltpu.sync_copy(clicks_hbm.at[sl_all], ci_v)
        pltpu.sync_copy(pe_hbm, pe_v)
        pltpu.sync_copy(pr_hbm, pr_v)
        pltpu.sync_copy(dce_hbm, dce_v)
        pltpu.sync_copy(dcr_hbm, dcr_v)
        plsc.subcore_barrier()
        copies = []
        cf_ = chunk // NCH_F
        for c in range(NCH_F):
            sl = pl.ds(c * cf_, cf_)
            copies.append(pltpu.async_copy(v_sh.at[vi_v.at[sl]],
                                           vv_v.at[sl], sem0))
        for cp in copies:
            cp.wait()

        dce = dce_v[...]
        dcr = dcr_v[...]
        himask = jnp.full((16,), -65536, jnp.int32)
        sixteen = jnp.full((16,), 16, jnp.int32)

        def body(g, carry):
            sl = pl.ds(g * 16, 16)
            vw = vv_v[sl]
            ve = lax.bitcast_convert_type(lax.shift_left(vw, sixteen),
                                          jnp.float32)
            vr = lax.bitcast_convert_type(lax.bitwise_and(vw, himask),
                                          jnp.float32)
            cf = ci_v[sl].astype(jnp.float32)
            ex = 1.0 / (1.0 + jnp.exp(-(ve + cf * dce + pe_v[sl])))
            oe_v[sl] = ex
            orp_v[sl] = vr + cf * dcr + pr_v[sl]
            return carry

        lax.fori_loop(0, groups, body, 0)

        pltpu.sync_copy(oe_v, ex_hbm.at[sl_all])
        pltpu.sync_copy(orp_v, rp_hbm.at[sl_all])

    return sc_exam


def _make_sc_rel():
    info = plsc.get_sparse_core_info()
    nc, ns = info.num_cores, info.num_subcores
    nw = nc * ns
    chunk = BS // nw
    groups = chunk // 16

    mesh = plsc.VectorSubcoreMesh(core_axis_name="c", subcore_axis_name="s")

    @functools.partial(
        pl.kernel,
        mesh=mesh,
        out_type=(
            jax.ShapeDtypeStruct((BS,), jnp.float32),
            jax.ShapeDtypeStruct((BS,), jnp.float32),
        ),
        scratch_types=[
            pltpu.VMEM((chunk,), jnp.int32),
            pltpu.VMEM((chunk,), jnp.int32),
            pltpu.VMEM((chunk,), jnp.int32),
            pltpu.VMEM((chunk,), jnp.float32),
            pltpu.VMEM((chunk,), jnp.int32),
            pltpu.VMEM((chunk,), jnp.float32),
            pltpu.VMEM((chunk,), jnp.float32),
            pltpu.VMEM((chunk,), jnp.float32),
            pltpu.VMEM((chunk,), jnp.float32),
            pltpu.VMEM_SHARED((QSP,), jnp.float32),
            pltpu.VMEM_SHARED((UPS,), jnp.int32),
            pltpu.SemaphoreType.DMA,
            pltpu.SemaphoreType.DMA,
        ],
    )
    def sc_rel(qids_hbm, uids_hbm, upair_hbm, q_proj_hbm, u_pairs_hbm,
               ex_hbm, rp_hbm, pred_hbm, rels_hbm,
               qi_v, ui_v, upi_v, qv_v, uv_v, ex_v, rp_v, op_v, or_v,
               q_sh, u_sh, sem0, sem1):
        sid = lax.axis_index("s")
        wid = sid * nc + lax.axis_index("c")
        base = wid * chunk
        sl_all = pl.ds(base, chunk)
        upart = UPS // ns
        u0 = sid * upart
        pltpu.sync_copy(u_pairs_hbm.at[pl.ds(u0, upart)],
                        u_sh.at[pl.ds(u0, upart)])
        qpart = QSP // ns
        q0 = sid * qpart
        pltpu.sync_copy(q_proj_hbm.at[pl.ds(q0, qpart)],
                        q_sh.at[pl.ds(q0, qpart)])
        pltpu.sync_copy(qids_hbm.at[sl_all], qi_v)
        pltpu.sync_copy(uids_hbm.at[sl_all], ui_v)
        pltpu.sync_copy(upair_hbm.at[sl_all], upi_v)
        pltpu.sync_copy(ex_hbm.at[sl_all], ex_v)
        pltpu.sync_copy(rp_hbm.at[sl_all], rp_v)
        plsc.subcore_barrier()
        copies = []
        cf_ = chunk // NCH_F
        for c in range(NCH_F):
            sl = pl.ds(c * cf_, cf_)
            copies.append(pltpu.async_copy(u_sh.at[upi_v.at[sl]],
                                           uv_v.at[sl], sem1))
            copies.append(pltpu.async_copy(q_sh.at[qi_v.at[sl]],
                                           qv_v.at[sl], sem0))
        for cp in copies:
            cp.wait()

        one = jnp.full((16,), 1, jnp.int32)
        zero = jnp.full((16,), 0, jnp.int32)
        upsv = jnp.full((16,), UPS, jnp.int32)
        himask = jnp.full((16,), -65536, jnp.int32)
        sixteen = jnp.full((16,), 16, jnp.int32)

        def body(g, carry):
            sl = pl.ds(g * 16, 16)
            up = uv_v[sl]
            hi = lax.select(ui_v[sl] >= upsv, one, zero)
            sham = lax.mul(lax.sub(one, hi), sixteen)
            ubits = lax.bitwise_and(lax.shift_left(up, sham), himask)
            uval = lax.bitcast_convert_type(ubits, jnp.float32)
            rl = 1.0 / (1.0 + jnp.exp(-(qv_v[sl] + uval + rp_v[sl])))
            or_v[sl] = rl
            op_v[sl] = rl * ex_v[sl]
            return carry

        lax.fori_loop(0, groups, body, 0)

        pltpu.sync_copy(op_v, pred_hbm.at[sl_all])
        pltpu.sync_copy(or_v, rels_hbm.at[sl_all])

    return sc_rel


_sc_exam = None
_sc_rel = None


def kernel(qids, uids, vids, clicks, q_table, u_table, v_table, click_table,
           pos_table, w_exam, b_exam, w_rel, b_rel):
    global _sc_exam, _sc_rel
    if _sc_exam is None:
        _sc_exam = _make_sc_exam()
        _sc_rel = _make_sc_rel()

    u_pairs, q_proj = _project_pack(
        u_table.T, q_table.T, w_rel[D:2 * D].reshape(D, 1),
        w_rel[:D].reshape(D, 1), UBLK, UPS // UBLK, QBLK, QSP // QBLK)

    zpad = jnp.zeros((SPAD - SMALL, D), jnp.float32)
    small_table = jnp.concatenate([v_table, click_table, pos_table, zpad],
                                  axis=0)
    w_e_mat = jnp.concatenate([
        jnp.broadcast_to(w_exam[:D], (VS, D)),
        jnp.broadcast_to(w_exam[D:2 * D], (CS, D)),
        jnp.broadcast_to(w_exam[2 * D:], (S, D)),
        zpad,
    ], axis=0)
    w_r_mat = jnp.concatenate([
        jnp.broadcast_to(w_rel[2 * D:3 * D], (VS, D)),
        jnp.broadcast_to(w_rel[3 * D:4 * D], (CS, D)),
        jnp.broadcast_to(w_rel[4 * D:], (S, D)),
        zpad,
    ], axis=0)
    rows = jnp.arange(SPAD)
    click_row = ((rows >= VS) & (rows < VS + CS)).astype(jnp.float32)
    bias_e = (click_row * b_exam[0]).reshape(SPAD, 1)
    bias_r = (click_row * b_rel[0]).reshape(SPAD, 1)
    small_e, small_r, small_v = _project_small(small_table, w_e_mat, w_r_mat,
                                               bias_e, bias_r)

    v_pk = jnp.concatenate([small_v[:VS], jnp.zeros((128 - VS,), jnp.int32)])
    ce0, ce1 = small_e[VS], small_e[VS + 1]
    cr0, cr1 = small_r[VS], small_r[VS + 1]
    p_e = small_e[VS + CS:SMALL]
    p_r = small_r[VS + CS:SMALL]
    pe_chunk = jnp.tile(p_e, 128) + ce0
    pr_chunk = jnp.tile(p_r, 128) + cr0
    dce16 = jnp.broadcast_to(ce1 - ce0, (16,))
    dcr16 = jnp.broadcast_to(cr1 - cr0, (16,))

    ex_f, rp_f = _sc_exam(vids.reshape(BS), clicks.reshape(BS), v_pk,
                          pe_chunk, pr_chunk, dce16, dcr16)

    uids_f = uids.reshape(BS)
    upair_idx = jnp.where(uids_f >= UPS, uids_f - UPS, uids_f)
    pred_f, rels_f = _sc_rel(
        qids.reshape(BS), uids_f, upair_idx, q_proj, u_pairs, ex_f, rp_f)
    return pred_f.reshape(B, S), rels_f.reshape(B, S)

# --- scband reference (transcript-rebuilt; emitter-appended) ---
"""Pipeline reference for scband-graph-cm-3238405342013 (READ-ONLY COPY).

The authoritative reference and input builder live on the scoring server;
editing this copy changes nothing except your own understanding.
"""

import jax, jax.numpy as jnp
import numpy as np

B, S, D = 4096, 50, 32
QS, US, VS, CS = 100000, 1000000, 100, 2


def setup_inputs(seed: int = 0) -> dict:
    key = jax.random.key(seed)
    ks = jax.random.split(key, 16)
    qids = jax.random.randint(ks[0], (B, S), 0, QS)
    uids = jax.random.randint(ks[1], (B, S), 0, US)
    vids = jax.random.randint(ks[2], (B, S), 0, VS)
    clicks = jax.random.randint(ks[3], (B, S), 0, CS)
    q_table = jax.random.normal(ks[4], (QS, D), dtype=jnp.float32) * 0.02
    u_table = jax.random.normal(ks[5], (US, D), dtype=jnp.float32) * 0.02
    v_table = jax.random.normal(ks[6], (VS, D), dtype=jnp.float32) * 0.02
    click_table = jax.random.normal(ks[7], (CS, D), dtype=jnp.float32) * 0.02
    pos_table = jax.random.normal(ks[8], (S, D), dtype=jnp.float32) * 0.02
    w_exam = jax.random.normal(ks[9], (3 * D,), dtype=jnp.float32) * 0.05
    b_exam = jnp.zeros((1,), dtype=jnp.float32)
    w_rel = jax.random.normal(ks[10], (5 * D,), dtype=jnp.float32) * 0.05
    b_rel = jnp.zeros((1,), dtype=jnp.float32)
    return {
        'qids': qids, 'uids': uids, 'vids': vids, 'clicks': clicks,
        'q_table': q_table, 'u_table': u_table, 'v_table': v_table,
        'click_table': click_table, 'pos_table': pos_table,
        'w_exam': w_exam, 'b_exam': b_exam, 'w_rel': w_rel, 'b_rel': b_rel,
    }


def reference(qids, uids, vids, clicks, q_table, u_table, v_table, click_table, pos_table, w_exam, b_exam, w_rel, b_rel):
    # gnn_layer embedding stage (use_gnn=False -> plain embedding lookups)
    qid_embed = jnp.take(q_table, qids, axis=0)          # [B, S, D]
    uid_embed = jnp.take(u_table, uids, axis=0)          # [B, S, D]
    vid_embed = jnp.take(v_table, vids, axis=0)          # [B, S, D]
    click_embed = jnp.take(click_table, clicks, axis=0)  # [B, S, D]
    pos_embed = jnp.broadcast_to(pos_table[None, :, :], (qids.shape[0], S, D))
    # ExamPredictor: examination probability from vid/click/position signals
    exam_in = jnp.concatenate([vid_embed, click_embed, pos_embed], axis=-1)  # [B, S, 3D]
    exams = jax.nn.sigmoid(jnp.einsum('bsd,d->bs', exam_in, w_exam) + b_exam)
    # RelEstimator: relevance from query/doc/vtype/click/position signals
    rel_in = jnp.concatenate([qid_embed, uid_embed, vid_embed, click_embed, pos_embed], axis=-1)  # [B, S, 5D]
    rels = jax.nn.sigmoid(jnp.einsum('bsd,d->bs', rel_in, w_rel) + b_rel)
    # combine == 'mul'
    pred_logits = rels * exams
    return (pred_logits, rels)

if __name__ == "__main__":
    import jax
    _d = setup_inputs()
    print(jax.jit(kernel)(*tuple(_d.values())))

</pallas_src>

<mosaic_0001>
#map = affine_map<(d0, d1) -> (0)>
module attributes {stable_mosaic.version = 14 : i64} {
  func.func @sc_rel(%arg0: i32, %arg1: i32, %arg2: memref<204800xi32, #tpu.memory_space<hbm>>, %arg3: memref<204800xi32, #tpu.memory_space<hbm>>, %arg4: memref<204800xi32, #tpu.memory_space<hbm>>, %arg5: memref<102400xf32, #tpu.memory_space<hbm>>, %arg6: memref<507904xi32, #tpu.memory_space<hbm>>, %arg7: memref<204800xf32, #tpu.memory_space<hbm>>, %arg8: memref<204800xf32, #tpu.memory_space<hbm>>, %arg9: memref<204800xf32, #tpu.memory_space<hbm>>, %arg10: memref<204800xf32, #tpu.memory_space<hbm>>, %arg11: memref<6400xi32, #tpu.memory_space<vmem>>, %arg12: memref<6400xi32, #tpu.memory_space<vmem>>, %arg13: memref<6400xi32, #tpu.memory_space<vmem>>, %arg14: memref<6400xf32, #tpu.memory_space<vmem>>, %arg15: memref<6400xi32, #tpu.memory_space<vmem>>, %arg16: memref<6400xf32, #tpu.memory_space<vmem>>, %arg17: memref<6400xf32, #tpu.memory_space<vmem>>, %arg18: memref<6400xf32, #tpu.memory_space<vmem>>, %arg19: memref<6400xf32, #tpu.memory_space<vmem>>, %arg20: memref<102400xf32, #tpu.memory_space<vmem_shared>>, %arg21: memref<507904xi32, #tpu.memory_space<vmem_shared>>, %arg22: memref<!tpu.dma_semaphore, #tpu.memory_space<semaphore_mem>>, %arg23: memref<!tpu.dma_semaphore, #tpu.memory_space<semaphore_mem>>) attributes {dimension_semantics = [#tpu.dimension_semantics<core_parallel>, #tpu.dimension_semantics<subcore_parallel>], iteration_bounds = array<i64: 2, 16>, scalar_prefetch = 0 : i64, scratch_operands = 13 : i64, tpu.core_type = #tpu.core_type<sc_vector_subcore>, window_params = [{transform_indices = #map}, {transform_indices = #map}, {transform_indices = #map}, {transform_indices = #map}, {transform_indices = #map}, {transform_indices = #map}, {transform_indices = #map}, {transform_indices = #map}, {transform_indices = #map}]} {
    %mul3A = arith.constant 2 : i32
    %mul3A_0 = arith.muli %arg1, %mul3A : i32
    %add3A = arith.addi %mul3A_0, %arg0 : i32
    %mul3A_1 = arith.constant 6400 : i32
    %mul3A_2 = arith.muli %add3A, %mul3A_1 : i32
    %mul3A_3 = arith.constant 31744 : i32
    %mul3A_4 = arith.muli %arg1, %mul3A_3 : i32
    "tpu.region"() ({
      %run_scoped3A = tpu.sem_alloc : memref<!tpu.dma_semaphore, #tpu.memory_space<semaphore_mem>>
      %dma_start3A_259 = tpu.memref_slice %arg21[%mul3A_4] : memref<507904xi32, #tpu.memory_space<vmem_shared>> -> memref<31744xi32, #tpu.memory_space<vmem_shared>>
      %dma_start3A_260 = tpu.memref_slice %arg6[%mul3A_4] : memref<507904xi32, #tpu.memory_space<hbm>> -> memref<31744xi32, #tpu.memory_space<hbm>>
      tpu.enqueue_dma source(%dma_start3A_260 : memref<31744xi32, #tpu.memory_space<hbm>>) target(%dma_start3A_259 : memref<31744xi32, #tpu.memory_space<vmem_shared>>) target_semaphore(%run_scoped3A : memref<!tpu.dma_semaphore, #tpu.memory_space<semaphore_mem>>)
      %dma_wait3A_261 = tpu.memref_slice %arg21[%mul3A_4] : memref<507904xi32, #tpu.memory_space<vmem_shared>> -> memref<31744xi32, #tpu.memory_space<vmem_shared>>
      %dma_wait3A_262 = tpu.memref_slice %arg6[%mul3A_4] : memref<507904xi32, #tpu.memory_space<hbm>> -> memref<31744xi32, #tpu.memory_space<hbm>>
      tpu.wait_dma2 semaphore(%run_scoped3A : memref<!tpu.dma_semaphore, #tpu.memory_space<semaphore_mem>>) src(%dma_wait3A_262 : memref<31744xi32, #tpu.memory_space<hbm>>) dst(%dma_wait3A_261 : memref<31744xi32, #tpu.memory_space<vmem_shared>>)
      tpu.yield
    }) : () -> ()
    %mul3A_5 = arith.constant 6400 : i32
    %mul3A_6 = arith.muli %arg1, %mul3A_5 : i32
    "tpu.region"() ({
      %run_scoped3A = tpu.sem_alloc : memref<!tpu.dma_semaphore, #tpu.memory_space<semaphore_mem>>
      %dma_start3A_259 = tpu.memref_slice %arg20[%mul3A_6] : memref<102400xf32, #tpu.memory_space<vmem_shared>> -> memref<6400xf32, #tpu.memory_space<vmem_shared>>
      %dma_start3A_260 = tpu.memref_slice %arg5[%mul3A_6] : memref<102400xf32, #tpu.memory_space<hbm>> -> memref<6400xf32, #tpu.memory_space<hbm>>
      tpu.enqueue_dma source(%dma_start3A_260 : memref<6400xf32, #tpu.memory_space<hbm>>) target(%dma_start3A_259 : memref<6400xf32, #tpu.memory_space<vmem_shared>>) target_semaphore(%run_scoped3A : memref<!tpu.dma_semaphore, #tpu.memory_space<semaphore_mem>>)
      %dma_wait3A_261 = tpu.memref_slice %arg20[%mul3A_6] : memref<102400xf32, #tpu.memory_space<vmem_shared>> -> memref<6400xf32, #tpu.memory_space<vmem_shared>>
      %dma_wait3A_262 = tpu.memref_slice %arg5[%mul3A_6] : memref<102400xf32, #tpu.memory_space<hbm>> -> memref<6400xf32, #tpu.memory_space<hbm>>
      tpu.wait_dma2 semaphore(%run_scoped3A : memref<!tpu.dma_semaphore, #tpu.memory_space<semaphore_mem>>) src(%dma_wait3A_262 : memref<6400xf32, #tpu.memory_space<hbm>>) dst(%dma_wait3A_261 : memref<6400xf32, #tpu.memory_space<vmem_shared>>)
      tpu.yield
    }) : () -> ()
    "tpu.region"() ({
      %run_scoped3A = tpu.sem_alloc : memref<!tpu.dma_semaphore, #tpu.memory_space<semaphore_mem>>
      %dma_start3A_259 = tpu.memref_slice %arg2[%mul3A_2] : memref<204800xi32, #tpu.memory_space<hbm>> -> memref<6400xi32, #tpu.memory_space<hbm>>
      %dma_start3A_260 = tpu.memref_slice %arg2[%mul3A_2] : memref<204800xi32, #tpu.memory_space<hbm>> -> memref<6400xi32, #tpu.memory_space<hbm>>
      tpu.enqueue_dma source(%dma_start3A_260 : memref<6400xi32, #tpu.memory_space<hbm>>) target(%arg11 : memref<6400xi32, #tpu.memory_space<vmem>>) target_semaphore(%run_scoped3A : memref<!tpu.dma_semaphore, #tpu.memory_space<semaphore_mem>>)
      %dma_wait3A_261 = tpu.memref_slice %arg2[%mul3A_2] : memref<204800xi32, #tpu.memory_space<hbm>> -> memref<6400xi32, #tpu.memory_space<hbm>>
      %dma_wait3A_262 = tpu.memref_slice %arg2[%mul3A_2] : memref<204800xi32, #tpu.memory_space<hbm>> -> memref<6400xi32, #tpu.memory_space<hbm>>
      tpu.wait_dma2 semaphore(%run_scoped3A : memref<!tpu.dma_semaphore, #tpu.memory_space<semaphore_mem>>) src(%dma_wait3A_262 : memref<6400xi32, #tpu.memory_space<hbm>>) dst(%arg11 : memref<6400xi32, #tpu.memory_space<vmem>>)
      tpu.yield
    }) : () -> ()
    "tpu.region"() ({
      %run_scoped3A = tpu.sem_alloc : memref<!tpu.dma_semaphore, #tpu.memory_space<semaphore_mem>>
      %dma_start3A_259 = tpu.memref_slice %arg3[%mul3A_2] : memref<204800xi32, #tpu.memory_space<hbm>> -> memref<6400xi32, #tpu.memory_space<hbm>>
      %dma_start3A_260 = tpu.memref_slice %arg3[%mul3A_2] : memref<204800xi32, #tpu.memory_space<hbm>> -> memref<6400xi32, #tpu.memory_space<hbm>>
      tpu.enqueue_dma source(%dma_start3A_260 : memref<6400xi32, #tpu.memory_space<hbm>>) target(%arg12 : memref<6400xi32, #tpu.memory_space<vmem>>) target_semaphore(%run_scoped3A : memref<!tpu.dma_semaphore, #tpu.memory_space<semaphore_mem>>)
      %dma_wait3A_261 = tpu.memref_slice %arg3[%mul3A_2] : memref<204800xi32, #tpu.memory_space<hbm>> -> memref<6400xi32, #tpu.memory_space<hbm>>
      %dma_wait3A_262 = tpu.memref_slice %arg3[%mul3A_2] : memref<204800xi32, #tpu.memory_space<hbm>> -> memref<6400xi32, #tpu.memory_space<hbm>>
      tpu.wait_dma2 semaphore(%run_scoped3A : memref<!tpu.dma_semaphore, #tpu.memory_space<semaphore_mem>>) src(%dma_wait3A_262 : memref<6400xi32, #tpu.memory_space<hbm>>) dst(%arg12 : memref<6400xi32, #tpu.memory_space<vmem>>)
      tpu.yield
    }) : () -> ()
    "tpu.region"() ({
      %run_scoped3A = tpu.sem_alloc : memref<!tpu.dma_semaphore, #tpu.memory_space<semaphore_mem>>
      %dma_start3A_259 = tpu.memref_slice %arg4[%mul3A_2] : memref<204800xi32, #tpu.memory_space<hbm>> -> memref<6400xi32, #tpu.memory_space<hbm>>
      %dma_start3A_260 = tpu.memref_slice %arg4[%mul3A_2] : memref<204800xi32, #tpu.memory_space<hbm>> -> memref<6400xi32, #tpu.memory_space<hbm>>
      tpu.enqueue_dma source(%dma_start3A_260 : memref<6400xi32, #tpu.memory_space<hbm>>) target(%arg13 : memref<6400xi32, #tpu.memory_space<vmem>>) target_semaphore(%run_scoped3A : memref<!tpu.dma_semaphore, #tpu.memory_space<semaphore_mem>>)
      %dma_wait3A_261 = tpu.memref_slice %arg4[%mul3A_2] : memref<204800xi32, #tpu.memory_space<hbm>> -> memref<6400xi32, #tpu.memory_space<hbm>>
      %dma_wait3A_262 = tpu.memref_slice %arg4[%mul3A_2] : memref<204800xi32, #tpu.memory_space<hbm>> -> memref<6400xi32, #tpu.memory_space<hbm>>
      tpu.wait_dma2 semaphore(%run_scoped3A : memref<!tpu.dma_semaphore, #tpu.memory_space<semaphore_mem>>) src(%dma_wait3A_262 : memref<6400xi32, #tpu.memory_space<hbm>>) dst(%arg13 : memref<6400xi32, #tpu.memory_space<vmem>>)
      tpu.yield
    }) : () -> ()
    "tpu.region"() ({
      %run_scoped3A = tpu.sem_alloc : memref<!tpu.dma_semaphore, #tpu.memory_space<semaphore_mem>>
      %dma_start3A_259 = tpu.memref_slice %arg7[%mul3A_2] : memref<204800xf32, #tpu.memory_space<hbm>> -> memref<6400xf32, #tpu.memory_space<hbm>>
      %dma_start3A_260 = tpu.memref_slice %arg7[%mul3A_2] : memref<204800xf32, #tpu.memory_space<hbm>> -> memref<6400xf32, #tpu.memory_space<hbm>>
      tpu.enqueue_dma source(%dma_start3A_260 : memref<6400xf32, #tpu.memory_space<hbm>>) target(%arg16 : memref<6400xf32, #tpu.memory_space<vmem>>) target_semaphore(%run_scoped3A : memref<!tpu.dma_semaphore, #tpu.memory_space<semaphore_mem>>)
      %dma_wait3A_261 = tpu.memref_slice %arg7[%mul3A_2] : memref<204800xf32, #tpu.memory_space<hbm>> -> memref<6400xf32, #tpu.memory_space<hbm>>
      %dma_wait3A_262 = tpu.memref_slice %arg7[%mul3A_2] : memref<204800xf32, #tpu.memory_space<hbm>> -> memref<6400xf32, #tpu.memory_space<hbm>>
      tpu.wait_dma2 semaphore(%run_scoped3A : memref<!tpu.dma_semaphore, #tpu.memory_space<semaphore_mem>>) src(%dma_wait3A_262 : memref<6400xf32, #tpu.memory_space<hbm>>) dst(%arg16 : memref<6400xf32, #tpu.memory_space<vmem>>)
      tpu.yield
    }) : () -> ()
    "tpu.region"() ({
      %run_scoped3A = tpu.sem_alloc : memref<!tpu.dma_semaphore, #tpu.memory_space<semaphore_mem>>
      %dma_start3A_259 = tpu.memref_slice %arg8[%mul3A_2] : memref<204800xf32, #tpu.memory_space<hbm>> -> memref<6400xf32, #tpu.memory_space<hbm>>
      %dma_start3A_260 = tpu.memref_slice %arg8[%mul3A_2] : memref<204800xf32, #tpu.memory_space<hbm>> -> memref<6400xf32, #tpu.memory_space<hbm>>
      tpu.enqueue_dma source(%dma_start3A_260 : memref<6400xf32, #tpu.memory_space<hbm>>) target(%arg17 : memref<6400xf32, #tpu.memory_space<vmem>>) target_semaphore(%run_scoped3A : memref<!tpu.dma_semaphore, #tpu.memory_space<semaphore_mem>>)
      %dma_wait3A_261 = tpu.memref_slice %arg8[%mul3A_2] : memref<204800xf32, #tpu.memory_space<hbm>> -> memref<6400xf32, #tpu.memory_space<hbm>>
      %dma_wait3A_262 = tpu.memref_slice %arg8[%mul3A_2] : memref<204800xf32, #tpu.memory_space<hbm>> -> memref<6400xf32, #tpu.memory_space<hbm>>
      tpu.wait_dma2 semaphore(%run_scoped3A : memref<!tpu.dma_semaphore, #tpu.memory_space<semaphore_mem>>) src(%dma_wait3A_262 : memref<6400xf32, #tpu.memory_space<hbm>>) dst(%arg17 : memref<6400xf32, #tpu.memory_space<vmem>>)
      tpu.yield
    }) : () -> ()
    %barrier3A = arith.constant 0 : index
    tpu.barrier barrier_id(%barrier3A)
    %dma_start3A = arith.constant 0 : i32
    %dma_start3A_7 = tpu.memref_slice %arg15[%dma_start3A] : memref<6400xi32, #tpu.memory_space<vmem>> -> memref<640xi32, #tpu.memory_space<vmem>>
    %dma_start3A_8 = arith.constant 0 : i32
    %dma_start3A_9 = tpu.memref_slice %arg13[%dma_start3A_8] : memref<6400xi32, #tpu.memory_space<vmem>> -> memref<640xi32, #tpu.memory_space<vmem>>
    %dma_start3A_10 = arith.constant 0 : i32
    %dma_start3A_11 = tpu.memref_slice %arg21[%dma_start3A_10] : memref<507904xi32, #tpu.memory_space<vmem_shared>> -> memref<507904xi32, #tpu.memory_space<vmem_shared>>
    tpu.enqueue_indirect_dma source(%dma_start3A_11 : memref<507904xi32, #tpu.memory_space<vmem_shared>>) target(%dma_start3A_7 : memref<640xi32, #tpu.memory_space<vmem>>) offsets(%dma_start3A_9 : memref<640xi32, #tpu.memory_space<vmem>>) semaphore(%arg23 : memref<!tpu.dma_semaphore, #tpu.memory_space<semaphore_mem>>)
    %dma_start3A_12 = arith.constant 0 : i32
    %dma_start3A_13 = tpu.memref_slice %arg14[%dma_start3A_12] : memref<6400xf32, #tpu.memory_space<vmem>> -> memref<640xf32, #tpu.memory_space<vmem>>
    %dma_start3A_14 = arith.constant 0 : i32
    %dma_start3A_15 = tpu.memref_slice %arg11[%dma_start3A_14] : memref<6400xi32, #tpu.memory_space<vmem>> -> memref<640xi32, #tpu.memory_space<vmem>>
    %dma_start3A_16 = arith.constant 0 : i32
    %dma_start3A_17 = tpu.memref_slice %arg20[%dma_start3A_16] : memref<102400xf32, #tpu.memory_space<vmem_shared>> -> memref<102400xf32, #tpu.memory_space<vmem_shared>>
    tpu.enqueue_indirect_dma source(%dma_start3A_17 : memref<102400xf32, #tpu.memory_space<vmem_shared>>) target(%dma_start3A_13 : memref<640xf32, #tpu.memory_space<vmem>>) offsets(%dma_start3A_15 : memref<640xi32, #tpu.memory_space<vmem>>) semaphore(%arg22 : memref<!tpu.dma_semaphore, #tpu.memory_space<semaphore_mem>>)
    %dma_start3A_18 = arith.constant 640 : i32
    %dma_start3A_19 = tpu.memref_slice %arg15[%dma_start3A_18] : memref<6400xi32, #tpu.memory_space<vmem>> -> memref<640xi32, #tpu.memory_space<vmem>>
    %dma_start3A_20 = arith.constant 640 : i32
    %dma_start3A_21 = tpu.memref_slice %arg13[%dma_start3A_20] : memref<6400xi32, #tpu.memory_space<vmem>> -> memref<640xi32, #tpu.memory_space<vmem>>
    %dma_start3A_22 = arith.constant 0 : i32
    %dma_start3A_23 = tpu.memref_slice %arg21[%dma_start3A_22] : memref<507904xi32, #tpu.memory_space<vmem_shared>> -> memref<507904xi32, #tpu.memory_space<vmem_shared>>
    tpu.enqueue_indirect_dma source(%dma_start3A_23 : memref<507904xi32, #tpu.memory_space<vmem_shared>>) target(%dma_start3A_19 : memref<640xi32, #tpu.memory_space<vmem>>) offsets(%dma_start3A_21 : memref<640xi32, #tpu.memory_space<vmem>>) semaphore(%arg23 : memref<!tpu.dma_semaphore, #tpu.memory_space<semaphore_mem>>)
    %dma_start3A_24 = arith.constant 640 : i32
    %dma_start3A_25 = tpu.memref_slice %arg14[%dma_start3A_24] : memref<6400xf32, #tpu.memory_space<vmem>> -> memref<640xf32, #tpu.memory_space<vmem>>
    %dma_start3A_26 = arith.constant 640 : i32
    %dma_start3A_27 = tpu.memref_slice %arg11[%dma_start3A_26] : memref<6400xi32, #tpu.memory_space<vmem>> -> memref<640xi32, #tpu.memory_space<vmem>>
    %dma_start3A_28 = arith.constant 0 : i32
    %dma_start3A_29 = tpu.memref_slice %arg20[%dma_start3A_28] : memref<102400xf32, #tpu.memory_space<vmem_shared>> -> memref<102400xf32, #tpu.memory_space<vmem_shared>>
    tpu.enqueue_indirect_dma source(%dma_start3A_29 : memref<102400xf32, #tpu.memory_space<vmem_shared>>) target(%dma_start3A_25 : memref<640xf32, #tpu.memory_space<vmem>>) offsets(%dma_start3A_27 : memref<640xi32, #tpu.memory_space<vmem>>) semaphore(%arg22 : memref<!tpu.dma_semaphore, #tpu.memory_space<semaphore_mem>>)
    %dma_start3A_30 = arith.constant 1280 : i32
    %dma_start3A_31 = tpu.memref_slice %arg15[%dma_start3A_30] : memref<6400xi32, #tpu.memory_space<vmem>> -> memref<640xi32, #tpu.memory_space<vmem>>
    %dma_start3A_32 = arith.constant 1280 : i32
    %dma_start3A_33 = tpu.memref_slice %arg13[%dma_start3A_32] : memref<6400xi32, #tpu.memory_space<vmem>> -> memref<640xi32, #tpu.memory_space<vmem>>
    %dma_start3A_34 = arith.constant 0 : i32
    %dma_start3A_35 = tpu.memref_slice %arg21[%dma_start3A_34] : memref<507904xi32, #tpu.memory_space<vmem_shared>> -> memref<507904xi32, #tpu.memory_space<vmem_shared>>
    tpu.enqueue_indirect_dma source(%dma_start3A_35 : memref<507904xi32, #tpu.memory_space<vmem_shared>>) target(%dma_start3A_31 : memref<640xi32, #tpu.memory_space<vmem>>) offsets(%dma_start3A_33 : memref<640xi32, #tpu.memory_space<vmem>>) semaphore(%arg23 : memref<!tpu.dma_semaphore, #tpu.memory_space<semaphore_mem>>)
    %dma_start3A_36 = arith.constant 1280 : i32
    %dma_start3A_37 = tpu.memref_slice %arg14[%dma_start3A_36] : memref<6400xf32, #tpu.memory_space<vmem>> -> memref<640xf32, #tpu.memory_space<vmem>>
    %dma_start3A_38 = arith.constant 1280 : i32
    %dma_start3A_39 = tpu.memref_slice %arg11[%dma_start3A_38] : memref<6400xi32, #tpu.memory_space<vmem>> -> memref<640xi32, #tpu.memory_space<vmem>>
    %dma_start3A_40 = arith.constant 0 : i32
    %dma_start3A_41 = tpu.memref_slice %arg20[%dma_start3A_40] : memref<102400xf32, #tpu.memory_space<vmem_shared>> -> memref<102400xf32, #tpu.memory_space<vmem_shared>>
    tpu.enqueue_indirect_dma source(%dma_start3A_41 : memref<102400xf32, #tpu.memory_space<vmem_shared>>) target(%dma_start3A_37 : memref<640xf32, #tpu.memory_space<vmem>>) offsets(%dma_start3A_39 : memref<640xi32, #tpu.memory_space<vmem>>) semaphore(%arg22 : memref<!tpu.dma_semaphore, #tpu.memory_space<semaphore_mem>>)
    %dma_start3A_42 = arith.constant 1920 : i32
    %dma_start3A_43 = tpu.memref_slice %arg15[%dma_start3A_42] : memref<6400xi32, #tpu.memory_space<vmem>> -> memref<640xi32, #tpu.memory_space<vmem>>
    %dma_start3A_44 = arith.constant 1920 : i32
    %dma_start3A_45 = tpu.memref_slice %arg13[%dma_start3A_44] : memref<6400xi32, #tpu.memory_space<vmem>> -> memref<640xi32, #tpu.memory_space<vmem>>
    %dma_start3A_46 = arith.constant 0 : i32
    %dma_start3A_47 = tpu.memref_slice %arg21[%dma_start3A_46] : memref<507904xi32, #tpu.memory_space<vmem_shared>> -> memref<507904xi32, #tpu.memory_space<vmem_shared>>
    tpu.enqueue_indirect_dma source(%dma_start3A_47 : memref<507904xi32, #tpu.memory_space<vmem_shared>>) target(%dma_start3A_43 : memref<640xi32, #tpu.memory_space<vmem>>) offsets(%dma_start3A_45 : memref<640xi32, #tpu.memory_space<vmem>>) semaphore(%arg23 : memref<!tpu.dma_semaphore, #tpu.memory_space<semaphore_mem>>)
    %dma_start3A_48 = arith.constant 1920 : i32
    %dma_start3A_49 = tpu.memref_slice %arg14[%dma_start3A_48] : memref<6400xf32, #tpu.memory_space<vmem>> -> memref<640xf32, #tpu.memory_space<vmem>>
    %dma_start3A_50 = arith.constant 1920 : i32
    %dma_start3A_51 = tpu.memref_slice %arg11[%dma_start3A_50] : memref<6400xi32, #tpu.memory_space<vmem>> -> memref<640xi32, #tpu.memory_space<vmem>>
    %dma_start3A_52 = arith.constant 0 : i32
    %dma_start3A_53 = tpu.memref_slice %arg20[%dma_start3A_52] : memref<102400xf32, #tpu.memory_space<vmem_shared>> -> memref<102400xf32, #tpu.memory_space<vmem_shared>>
    tpu.enqueue_indirect_dma source(%dma_start3A_53 : memref<102400xf32, #tpu.memory_space<vmem_shared>>) target(%dma_start3A_49 : memref<640xf32, #tpu.memory_space<vmem>>) offsets(%dma_start3A_51 : memref<640xi32, #tpu.memory_space<vmem>>) semaphore(%arg22 : memref<!tpu.dma_semaphore, #tpu.memory_space<semaphore_mem>>)
    %dma_start3A_54 = arith.constant 2560 : i32
    %dma_start3A_55 = tpu.memref_slice %arg15[%dma_start3A_54] : memref<6400xi32, #tpu.memory_space<vmem>> -> memref<640xi32, #tpu.memory_space<vmem>>
    %dma_start3A_56 = arith.constant 2560 : i32
    %dma_start3A_57 = tpu.memref_slice %arg13[%dma_start3A_56] : memref<6400xi32, #tpu.memory_space<vmem>> -> memref<640xi32, #tpu.memory_space<vmem>>
    %dma_start3A_58 = arith.constant 0 : i32
    %dma_start3A_59 = tpu.memref_slice %arg21[%dma_start3A_58] : memref<507904xi32, #tpu.memory_space<vmem_shared>> -> memref<507904xi32, #tpu.memory_space<vmem_shared>>
    tpu.enqueue_indirect_dma source(%dma_start3A_59 : memref<507904xi32, #tpu.memory_space<vmem_shared>>) target(%dma_start3A_55 : memref<640xi32, #tpu.memory_space<vmem>>) offsets(%dma_start3A_57 : memref<640xi32, #tpu.memory_space<vmem>>) semaphore(%arg23 : memref<!tpu.dma_semaphore, #tpu.memory_space<semaphore_mem>>)
    %dma_start3A_60 = arith.constant 2560 : i32
    %dma_start3A_61 = tpu.memref_slice %arg14[%dma_start3A_60] : memref<6400xf32, #tpu.memory_space<vmem>> -> memref<640xf32, #tpu.memory_space<vmem>>
    %dma_start3A_62 = arith.constant 2560 : i32
    %dma_start3A_63 = tpu.memref_slice %arg11[%dma_start3A_62] : memref<6400xi32, #tpu.memory_space<vmem>> -> memref<640xi32, #tpu.memory_space<vmem>>
    %dma_start3A_64 = arith.constant 0 : i32
    %dma_start3A_65 = tpu.memref_slice %arg20[%dma_start3A_64] : memref<102400xf32, #tpu.memory_space<vmem_shared>> -> memref<102400xf32, #tpu.memory_space<vmem_shared>>
    tpu.enqueue_indirect_dma source(%dma_start3A_65 : memref<102400xf32, #tpu.memory_space<vmem_shared>>) target(%dma_start3A_61 : memref<640xf32, #tpu.memory_space<vmem>>) offsets(%dma_start3A_63 : memref<640xi32, #tpu.memory_space<vmem>>) semaphore(%arg22 : memref<!tpu.dma_semaphore, #tpu.memory_space<semaphore_mem>>)
    %dma_start3A_66 = arith.constant 3200 : i32
    %dma_start3A_67 = tpu.memref_slice %arg15[%dma_start3A_66] : memref<6400xi32, #tpu.memory_space<vmem>> -> memref<640xi32, #tpu.memory_space<vmem>>
    %dma_start3A_68 = arith.constant 3200 : i32
    %dma_start3A_69 = tpu.memref_slice %arg13[%dma_start3A_68] : memref<6400xi32, #tpu.memory_space<vmem>> -> memref<640xi32, #tpu.memory_space<vmem>>
    %dma_start3A_70 = arith.constant 0 : i32
    %dma_start3A_71 = tpu.memref_slice %arg21[%dma_start3A_70] : memref<507904xi32, #tpu.memory_space<vmem_shared>> -> memref<507904xi32, #tpu.memory_space<vmem_shared>>
    tpu.enqueue_indirect_dma source(%dma_start3A_71 : memref<507904xi32, #tpu.memory_space<vmem_shared>>) target(%dma_start3A_67 : memref<640xi32, #tpu.memory_space<vmem>>) offsets(%dma_start3A_69 : memref<640xi32, #tpu.memory_space<vmem>>) semaphore(%arg23 : memref<!tpu.dma_semaphore, #tpu.memory_space<semaphore_mem>>)
    %dma_start3A_72 = arith.constant 3200 : i32
    %dma_start3A_73 = tpu.memref_slice %arg14[%dma_start3A_72] : memref<6400xf32, #tpu.memory_space<vmem>> -> memref<640xf32, #tpu.memory_space<vmem>>
    %dma_start3A_74 = arith.constant 3200 : i32
    %dma_start3A_75 = tpu.memref_slice %arg11[%dma_start3A_74] : memref<6400xi32, #tpu.memory_space<vmem>> -> memref<640xi32, #tpu.memory_space<vmem>>
    %dma_start3A_76 = arith.constant 0 : i32
    %dma_start3A_77 = tpu.memref_slice %arg20[%dma_start3A_76] : memref<102400xf32, #tpu.memory_space<vmem_shared>> -> memref<102400xf32, #tpu.memory_space<vmem_shared>>
    tpu.enqueue_indirect_dma source(%dma_start3A_77 : memref<102400xf32, #tpu.memory_space<vmem_shared>>) target(%dma_start3A_73 : memref<640xf32, #tpu.memory_space<vmem>>) offsets(%dma_start3A_75 : memref<640xi32, #tpu.memory_space<vmem>>) semaphore(%arg22 : memref<!tpu.dma_semaphore, #tpu.memory_space<semaphore_mem>>)
    %dma_start3A_78 = arith.constant 3840 : i32
    %dma_start3A_79 = tpu.memref_slice %arg15[%dma_start3A_78] : memref<6400xi32, #tpu.memory_space<vmem>> -> memref<640xi32, #tpu.memory_space<vmem>>
    %dma_start3A_80 = arith.constant 3840 : i32
    %dma_start3A_81 = tpu.memref_slice %arg13[%dma_start3A_80] : memref<6400xi32, #tpu.memory_space<vmem>> -> memref<640xi32, #tpu.memory_space<vmem>>
    %dma_start3A_82 = arith.constant 0 : i32
    %dma_start3A_83 = tpu.memref_slice %arg21[%dma_start3A_82] : memref<507904xi32, #tpu.memory_space<vmem_shared>> -> memref<507904xi32, #tpu.memory_space<vmem_shared>>
    tpu.enqueue_indirect_dma source(%dma_start3A_83 : memref<507904xi32, #tpu.memory_space<vmem_shared>>) target(%dma_start3A_79 : memref<640xi32, #tpu.memory_space<vmem>>) offsets(%dma_start3A_81 : memref<640xi32, #tpu.memory_space<vmem>>) semaphore(%arg23 : memref<!tpu.dma_semaphore, #tpu.memory_space<semaphore_mem>>)
    %dma_start3A_84 = arith.constant 3840 : i32
    %dma_start3A_85 = tpu.memref_slice %arg14[%dma_start3A_84] : memref<6400xf32, #tpu.memory_space<vmem>> -> memref<640xf32, #tpu.memory_space<vmem>>
    %dma_start3A_86 = arith.constant 3840 : i32
    %dma_start3A_87 = tpu.memref_slice %arg11[%dma_start3A_86] : memref<6400xi32, #tpu.memory_space<vmem>> -> memref<640xi32, #tpu.memory_space<vmem>>
    %dma_start3A_88 = arith.constant 0 : i32
    %dma_start3A_89 = tpu.memref_slice %arg20[%dma_start3A_88] : memref<102400xf32, #tpu.memory_space<vmem_shared>> -> memref<102400xf32, #tpu.memory_space<vmem_shared>>
    tpu.enqueue_indirect_dma source(%dma_start3A_89 : memref<102400xf32, #tpu.memory_space<vmem_shared>>) target(%dma_start3A_85 : memref<640xf32, #tpu.memory_space<vmem>>) offsets(%dma_start3A_87 : memref<640xi32, #tpu.memory_space<vmem>>) semaphore(%arg22 : memref<!tpu.dma_semaphore, #tpu.memory_space<semaphore_mem>>)
    %dma_start3A_90 = arith.constant 4480 : i32
    %dma_start3A_91 = tpu.memref_slice %arg15[%dma_start3A_90] : memref<6400xi32, #tpu.memory_space<vmem>> -> memref<640xi32, #tpu.memory_space<vmem>>
    %dma_start3A_92 = arith.constant 4480 : i32
    %dma_start3A_93 = tpu.memref_slice %arg13[%dma_start3A_92] : memref<6400xi32, #tpu.memory_space<vmem>> -> memref<640xi32, #tpu.memory_space<vmem>>
    %dma_start3A_94 = arith.constant 0 : i32
    %dma_start3A_95 = tpu.memref_slice %arg21[%dma_start3A_94] : memref<507904xi32, #tpu.memory_space<vmem_shared>> -> memref<507904xi32, #tpu.memory_space<vmem_shared>>
    tpu.enqueue_indirect_dma source(%dma_start3A_95 : memref<507904xi32, #tpu.memory_space<vmem_shared>>) target(%dma_start3A_91 : memref<640xi32, #tpu.memory_space<vmem>>) offsets(%dma_start3A_93 : memref<640xi32, #tpu.memory_space<vmem>>) semaphore(%arg23 : memref<!tpu.dma_semaphore, #tpu.memory_space<semaphore_mem>>)
    %dma_start3A_96 = arith.constant 4480 : i32
    %dma_start3A_97 = tpu.memref_slice %arg14[%dma_start3A_96] : memref<6400xf32, #tpu.memory_space<vmem>> -> memref<640xf32, #tpu.memory_space<vmem>>
    %dma_start3A_98 = arith.constant 4480 : i32
    %dma_start3A_99 = tpu.memref_slice %arg11[%dma_start3A_98] : memref<6400xi32, #tpu.memory_space<vmem>> -> memref<640xi32, #tpu.memory_space<vmem>>
    %dma_start3A_100 = arith.constant 0 : i32
    %dma_start3A_101 = tpu.memref_slice %arg20[%dma_start3A_100] : memref<102400xf32, #tpu.memory_space<vmem_shared>> -> memref<102400xf32, #tpu.memory_space<vmem_shared>>
    tpu.enqueue_indirect_dma source(%dma_start3A_101 : memref<102400xf32, #tpu.memory_space<vmem_shared>>) target(%dma_start3A_97 : memref<640xf32, #tpu.memory_space<vmem>>) offsets(%dma_start3A_99 : memref<640xi32, #tpu.memory_space<vmem>>) semaphore(%arg22 : memref<!tpu.dma_semaphore, #tpu.memory_space<semaphore_mem>>)
    %dma_start3A_102 = arith.constant 5120 : i32
    %dma_start3A_103 = tpu.memref_slice %arg15[%dma_start3A_102] : memref<6400xi32, #tpu.memory_space<vmem>> -> memref<640xi32, #tpu.memory_space<vmem>>
    %dma_start3A_104 = arith.constant 5120 : i32
    %dma_start3A_105 = tpu.memref_slice %arg13[%dma_start3A_104] : memref<6400xi32, #tpu.memory_space<vmem>> -> memref<640xi32, #tpu.memory_space<vmem>>
    %dma_start3A_106 = arith.constant 0 : i32
    %dma_start3A_107 = tpu.memref_slice %arg21[%dma_start3A_106] : memref<507904xi32, #tpu.memory_space<vmem_shared>> -> memref<507904xi32, #tpu.memory_space<vmem_shared>>
    tpu.enqueue_indirect_dma source(%dma_start3A_107 : memref<507904xi32, #tpu.memory_space<vmem_shared>>) target(%dma_start3A_103 : memref<640xi32, #tpu.memory_space<vmem>>) offsets(%dma_start3A_105 : memref<640xi32, #tpu.memory_space<vmem>>) semaphore(%arg23 : memref<!tpu.dma_semaphore, #tpu.memory_space<semaphore_mem>>)
    %dma_start3A_108 = arith.constant 5120 : i32
    %dma_start3A_109 = tpu.memref_slice %arg14[%dma_start3A_108] : memref<6400xf32, #tpu.memory_space<vmem>> -> memref<640xf32, #tpu.memory_space<vmem>>
    %dma_start3A_110 = arith.constant 5120 : i32
    %dma_start3A_111 = tpu.memref_slice %arg11[%dma_start3A_110] : memref<6400xi32, #tpu.memory_space<vmem>> -> memref<640xi32, #tpu.memory_space<vmem>>
    %dma_start3A_112 = arith.constant 0 : i32
    %dma_start3A_113 = tpu.memref_slice %arg20[%dma_start3A_112] : memref<102400xf32, #tpu.memory_space<vmem_shared>> -> memref<102400xf32, #tpu.memory_space<vmem_shared>>
    tpu.enqueue_indirect_dma source(%dma_start3A_113 : memref<102400xf32, #tpu.memory_space<vmem_shared>>) target(%dma_start3A_109 : memref<640xf32, #tpu.memory_space<vmem>>) offsets(%dma_start3A_111 : memref<640xi32, #tpu.memory_space<vmem>>) semaphore(%arg22 : memref<!tpu.dma_semaphore, #tpu.memory_space<semaphore_mem>>)
    %dma_start3A_114 = arith.constant 5760 : i32
    %dma_start3A_115 = tpu.memref_slice %arg15[%dma_start3A_114] : memref<6400xi32, #tpu.memory_space<vmem>> -> memref<640xi32, #tpu.memory_space<vmem>>
    %dma_start3A_116 = arith.constant 5760 : i32
    %dma_start3A_117 = tpu.memref_slice %arg13[%dma_start3A_116] : memref<6400xi32, #tpu.memory_space<vmem>> -> memref<640xi32, #tpu.memory_space<vmem>>
    %dma_start3A_118 = arith.constant 0 : i32
    %dma_start3A_119 = tpu.memref_slice %arg21[%dma_start3A_118] : memref<507904xi32, #tpu.memory_space<vmem_shared>> -> memref<507904xi32, #tpu.memory_space<vmem_shared>>
    tpu.enqueue_indirect_dma source(%dma_start3A_119 : memref<507904xi32, #tpu.memory_space<vmem_shared>>) target(%dma_start3A_115 : memref<640xi32, #tpu.memory_space<vmem>>) offsets(%dma_start3A_117 : memref<640xi32, #tpu.memory_space<vmem>>) semaphore(%arg23 : memref<!tpu.dma_semaphore, #tpu.memory_space<semaphore_mem>>)
    %dma_start3A_120 = arith.constant 5760 : i32
    %dma_start3A_121 = tpu.memref_slice %arg14[%dma_start3A_120] : memref<6400xf32, #tpu.memory_space<vmem>> -> memref<640xf32, #tpu.memory_space<vmem>>
    %dma_start3A_122 = arith.constant 5760 : i32
    %dma_start3A_123 = tpu.memref_slice %arg11[%dma_start3A_122] : memref<6400xi32, #tpu.memory_space<vmem>> -> memref<640xi32, #tpu.memory_space<vmem>>
    %dma_start3A_124 = arith.constant 0 : i32
    %dma_start3A_125 = tpu.memref_slice %arg20[%dma_start3A_124] : memref<102400xf32, #tpu.memory_space<vmem_shared>> -> memref<102400xf32, #tpu.memory_space<vmem_shared>>
    tpu.enqueue_indirect_dma source(%dma_start3A_125 : memref<102400xf32, #tpu.memory_space<vmem_shared>>) target(%dma_start3A_121 : memref<640xf32, #tpu.memory_space<vmem>>) offsets(%dma_start3A_123 : memref<640xi32, #tpu.memory_space<vmem>>) semaphore(%arg22 : memref<!tpu.dma_semaphore, #tpu.memory_space<semaphore_mem>>)
    %dma_wait3A = arith.constant 0 : i32
    %dma_wait3A_126 = tpu.memref_slice %arg15[%dma_wait3A] : memref<6400xi32, #tpu.memory_space<vmem>> -> memref<640xi32, #tpu.memory_space<vmem>>
    %dma_wait3A_127 = arith.constant 0 : i32
    %dma_wait3A_128 = tpu.memref_slice %arg13[%dma_wait3A_127] : memref<6400xi32, #tpu.memory_space<vmem>> -> memref<640xi32, #tpu.memory_space<vmem>>
    %dma_wait3A_129 = arith.constant 0 : i32
    %dma_wait3A_130 = tpu.memref_slice %arg21[%dma_wait3A_129] : memref<507904xi32, #tpu.memory_space<vmem_shared>> -> memref<507904xi32, #tpu.memory_space<vmem_shared>>
    tpu.wait_indirect_dma semaphore(%arg23 : memref<!tpu.dma_semaphore, #tpu.memory_space<semaphore_mem>>) src(%dma_wait3A_130 : memref<507904xi32, #tpu.memory_space<vmem_shared>>) dst(%dma_wait3A_126 : memref<640xi32, #tpu.memory_space<vmem>>)
    %dma_wait3A_131 = arith.constant 0 : i32
    %dma_wait3A_132 = tpu.memref_slice %arg14[%dma_wait3A_131] : memref<6400xf32, #tpu.memory_space<vmem>> -> memref<640xf32, #tpu.memory_space<vmem>>
    %dma_wait3A_133 = arith.constant 0 : i32
    %dma_wait3A_134 = tpu.memref_slice %arg11[%dma_wait3A_133] : memref<6400xi32, #tpu.memory_space<vmem>> -> memref<640xi32, #tpu.memory_space<vmem>>
    %dma_wait3A_135 = arith.constant 0 : i32
    %dma_wait3A_136 = tpu.memref_slice %arg20[%dma_wait3A_135] : memref<102400xf32, #tpu.memory_space<vmem_shared>> -> memref<102400xf32, #tpu.memory_space<vmem_shared>>
    tpu.wait_indirect_dma semaphore(%arg22 : memref<!tpu.dma_semaphore, #tpu.memory_space<semaphore_mem>>) src(%dma_wait3A_136 : memref<102400xf32, #tpu.memory_space<vmem_shared>>) dst(%dma_wait3A_132 : memref<640xf32, #tpu.memory_space<vmem>>)
    %dma_wait3A_137 = arith.constant 640 : i32
    %dma_wait3A_138 = tpu.memref_slice %arg15[%dma_wait3A_137] : memref<6400xi32, #tpu.memory_space<vmem>> -> memref<640xi32, #tpu.memory_space<vmem>>
    %dma_wait3A_139 = arith.constant 640 : i32
    %dma_wait3A_140 = tpu.memref_slice %arg13[%dma_wait3A_139] : memref<6400xi32, #tpu.memory_space<vmem>> -> memref<640xi32, #tpu.memory_space<vmem>>
    %dma_wait3A_141 = arith.constant 0 : i32
    %dma_wait3A_142 = tpu.memref_slice %arg21[%dma_wait3A_141] : memref<507904xi32, #tpu.memory_space<vmem_shared>> -> memref<507904xi32, #tpu.memory_space<vmem_shared>>
    tpu.wait_indirect_dma semaphore(%arg23 : memref<!tpu.dma_semaphore, #tpu.memory_space<semaphore_mem>>) src(%dma_wait3A_142 : memref<507904xi32, #tpu.memory_space<vmem_shared>>) dst(%dma_wait3A_138 : memref<640xi32, #tpu.memory_space<vmem>>)
    %dma_wait3A_143 = arith.constant 640 : i32
    %dma_wait3A_144 = tpu.memref_slice %arg14[%dma_wait3A_143] : memref<6400xf32, #tpu.memory_space<vmem>> -> memref<640xf32, #tpu.memory_space<vmem>>
    %dma_wait3A_145 = arith.constant 640 : i32
    %dma_wait3A_146 = tpu.memref_slice %arg11[%dma_wait3A_145] : memref<6400xi32, #tpu.memory_space<vmem>> -> memref<640xi32, #tpu.memory_space<vmem>>
    %dma_wait3A_147 = arith.constant 0 : i32
    %dma_wait3A_148 = tpu.memref_slice %arg20[%dma_wait3A_147] : memref<102400xf32, #tpu.memory_space<vmem_shared>> -> memref<102400xf32, #tpu.memory_space<vmem_shared>>
    tpu.wait_indirect_dma semaphore(%arg22 : memref<!tpu.dma_semaphore, #tpu.memory_space<semaphore_mem>>) src(%dma_wait3A_148 : memref<102400xf32, #tpu.memory_space<vmem_shared>>) dst(%dma_wait3A_144 : memref<640xf32, #tpu.memory_space<vmem>>)
    %dma_wait3A_149 = arith.constant 1280 : i32
    %dma_wait3A_150 = tpu.memref_slice %arg15[%dma_wait3A_149] : memref<6400xi32, #tpu.memory_space<vmem>> -> memref<640xi32, #tpu.memory_space<vmem>>
    %dma_wait3A_151 = arith.constant 1280 : i32
    %dma_wait3A_152 = tpu.memref_slice %arg13[%dma_wait3A_151] : memref<6400xi32, #tpu.memory_space<vmem>> -> memref<640xi32, #tpu.memory_space<vmem>>
    %dma_wait3A_153 = arith.constant 0 : i32
    %dma_wait3A_154 = tpu.memref_slice %arg21[%dma_wait3A_153] : memref<507904xi32, #tpu.memory_space<vmem_shared>> -> memref<507904xi32, #tpu.memory_space<vmem_shared>>
    tpu.wait_indirect_dma semaphore(%arg23 : memref<!tpu.dma_semaphore, #tpu.memory_space<semaphore_mem>>) src(%dma_wait3A_154 : memref<507904xi32, #tpu.memory_space<vmem_shared>>) dst(%dma_wait3A_150 : memref<640xi32, #tpu.memory_space<vmem>>)
    %dma_wait3A_155 = arith.constant 1280 : i32
    %dma_wait3A_156 = tpu.memref_slice %arg14[%dma_wait3A_155] : memref<6400xf32, #tpu.memory_space<vmem>> -> memref<640xf32, #tpu.memory_space<vmem>>
    %dma_wait3A_157 = arith.constant 1280 : i32
    %dma_wait3A_158 = tpu.memref_slice %arg11[%dma_wait3A_157] : memref<6400xi32, #tpu.memory_space<vmem>> -> memref<640xi32, #tpu.memory_space<vmem>>
    %dma_wait3A_159 = arith.constant 0 : i32
    %dma_wait3A_160 = tpu.memref_slice %arg20[%dma_wait3A_159] : memref<102400xf32, #tpu.memory_space<vmem_shared>> -> memref<102400xf32, #tpu.memory_space<vmem_shared>>
    tpu.wait_indirect_dma semaphore(%arg22 : memref<!tpu.dma_semaphore, #tpu.memory_space<semaphore_mem>>) src(%dma_wait3A_160 : memref<102400xf32, #tpu.memory_space<vmem_shared>>) dst(%dma_wait3A_156 : memref<640xf32, #tpu.memory_space<vmem>>)
    %dma_wait3A_161 = arith.constant 1920 : i32
    %dma_wait3A_162 = tpu.memref_slice %arg15[%dma_wait3A_161] : memref<6400xi32, #tpu.memory_space<vmem>> -> memref<640xi32, #tpu.memory_space<vmem>>
    %dma_wait3A_163 = arith.constant 1920 : i32
    %dma_wait3A_164 = tpu.memref_slice %arg13[%dma_wait3A_163] : memref<6400xi32, #tpu.memory_space<vmem>> -> memref<640xi32, #tpu.memory_space<vmem>>
    %dma_wait3A_165 = arith.constant 0 : i32
    %dma_wait3A_166 = tpu.memref_slice %arg21[%dma_wait3A_165] : memref<507904xi32, #tpu.memory_space<vmem_shared>> -> memref<507904xi32, #tpu.memory_space<vmem_shared>>
    tpu.wait_indirect_dma semaphore(%arg23 : memref<!tpu.dma_semaphore, #tpu.memory_space<semaphore_mem>>) src(%dma_wait3A_166 : memref<507904xi32, #tpu.memory_space<vmem_shared>>) dst(%dma_wait3A_162 : memref<640xi32, #tpu.memory_space<vmem>>)
    %dma_wait3A_167 = arith.constant 1920 : i32
    %dma_wait3A_168 = tpu.memref_slice %arg14[%dma_wait3A_167] : memref<6400xf32, #tpu.memory_space<vmem>> -> memref<640xf32, #tpu.memory_space<vmem>>
    %dma_wait3A_169 = arith.constant 1920 : i32
    %dma_wait3A_170 = tpu.memref_slice %arg11[%dma_wait3A_169] : memref<6400xi32, #tpu.memory_space<vmem>> -> memref<640xi32, #tpu.memory_space<vmem>>
    %dma_wait3A_171 = arith.constant 0 : i32
    %dma_wait3A_172 = tpu.memref_slice %arg20[%dma_wait3A_171] : memref<102400xf32, #tpu.memory_space<vmem_shared>> -> memref<102400xf32, #tpu.memory_space<vmem_shared>>
    tpu.wait_indirect_dma semaphore(%arg22 : memref<!tpu.dma_semaphore, #tpu.memory_space<semaphore_mem>>) src(%dma_wait3A_172 : memref<102400xf32, #tpu.memory_space<vmem_shared>>) dst(%dma_wait3A_168 : memref<640xf32, #tpu.memory_space<vmem>>)
    %dma_wait3A_173 = arith.constant 2560 : i32
    %dma_wait3A_174 = tpu.memref_slice %arg15[%dma_wait3A_173] : memref<6400xi32, #tpu.memory_space<vmem>> -> memref<640xi32, #tpu.memory_space<vmem>>
    %dma_wait3A_175 = arith.constant 2560 : i32
    %dma_wait3A_176 = tpu.memref_slice %arg13[%dma_wait3A_175] : memref<6400xi32, #tpu.memory_space<vmem>> -> memref<640xi32, #tpu.memory_space<vmem>>
    %dma_wait3A_177 = arith.constant 0 : i32
    %dma_wait3A_178 = tpu.memref_slice %arg21[%dma_wait3A_177] : memref<507904xi32, #tpu.memory_space<vmem_shared>> -> memref<507904xi32, #tpu.memory_space<vmem_shared>>
    tpu.wait_indirect_dma semaphore(%arg23 : memref<!tpu.dma_semaphore, #tpu.memory_space<semaphore_mem>>) src(%dma_wait3A_178 : memref<507904xi32, #tpu.memory_space<vmem_shared>>) dst(%dma_wait3A_174 : memref<640xi32, #tpu.memory_space<vmem>>)
    %dma_wait3A_179 = arith.constant 2560 : i32
    %dma_wait3A_180 = tpu.memref_slice %arg14[%dma_wait3A_179] : memref<6400xf32, #tpu.memory_space<vmem>> -> memref<640xf32, #tpu.memory_space<vmem>>
    %dma_wait3A_181 = arith.constant 2560 : i32
    %dma_wait3A_182 = tpu.memref_slice %arg11[%dma_wait3A_181] : memref<6400xi32, #tpu.memory_space<vmem>> -> memref<640xi32, #tpu.memory_space<vmem>>
    %dma_wait3A_183 = arith.constant 0 : i32
    %dma_wait3A_184 = tpu.memref_slice %arg20[%dma_wait3A_183] : memref<102400xf32, #tpu.memory_space<vmem_shared>> -> memref<102400xf32, #tpu.memory_space<vmem_shared>>
    tpu.wait_indirect_dma semaphore(%arg22 : memref<!tpu.dma_semaphore, #tpu.memory_space<semaphore_mem>>) src(%dma_wait3A_184 : memref<102400xf32, #tpu.memory_space<vmem_shared>>) dst(%dma_wait3A_180 : memref<640xf32, #tpu.memory_space<vmem>>)
    %dma_wait3A_185 = arith.constant 3200 : i32
    %dma_wait3A_186 = tpu.memref_slice %arg15[%dma_wait3A_185] : memref<6400xi32, #tpu.memory_space<vmem>> -> memref<640xi32, #tpu.memory_space<vmem>>
    %dma_wait3A_187 = arith.constant 3200 : i32
    %dma_wait3A_188 = tpu.memref_slice %arg13[%dma_wait3A_187] : memref<6400xi32, #tpu.memory_space<vmem>> -> memref<640xi32, #tpu.memory_space<vmem>>
    %dma_wait3A_189 = arith.constant 0 : i32
    %dma_wait3A_190 = tpu.memref_slice %arg21[%dma_wait3A_189] : memref<507904xi32, #tpu.memory_space<vmem_shared>> -> memref<507904xi32, #tpu.memory_space<vmem_shared>>
    tpu.wait_indirect_dma semaphore(%arg23 : memref<!tpu.dma_semaphore, #tpu.memory_space<semaphore_mem>>) src(%dma_wait3A_190 : memref<507904xi32, #tpu.memory_space<vmem_shared>>) dst(%dma_wait3A_186 : memref<640xi32, #tpu.memory_space<vmem>>)
    %dma_wait3A_191 = arith.constant 3200 : i32
    %dma_wait3A_192 = tpu.memref_slice %arg14[%dma_wait3A_191] : memref<6400xf32, #tpu.memory_space<vmem>> -> memref<640xf32, #tpu.memory_space<vmem>>
    %dma_wait3A_193 = arith.constant 3200 : i32
    %dma_wait3A_194 = tpu.memref_slice %arg11[%dma_wait3A_193] : memref<6400xi32, #tpu.memory_space<vmem>> -> memref<640xi32, #tpu.memory_space<vmem>>
    %dma_wait3A_195 = arith.constant 0 : i32
    %dma_wait3A_196 = tpu.memref_slice %arg20[%dma_wait3A_195] : memref<102400xf32, #tpu.memory_space<vmem_shared>> -> memref<102400xf32, #tpu.memory_space<vmem_shared>>
    tpu.wait_indirect_dma semaphore(%arg22 : memref<!tpu.dma_semaphore, #tpu.memory_space<semaphore_mem>>) src(%dma_wait3A_196 : memref<102400xf32, #tpu.memory_space<vmem_shared>>) dst(%dma_wait3A_192 : memref<640xf32, #tpu.memory_space<vmem>>)
    %dma_wait3A_197 = arith.constant 3840 : i32
    %dma_wait3A_198 = tpu.memref_slice %arg15[%dma_wait3A_197] : memref<6400xi32, #tpu.memory_space<vmem>> -> memref<640xi32, #tpu.memory_space<vmem>>
    %dma_wait3A_199 = arith.constant 3840 : i32
    %dma_wait3A_200 = tpu.memref_slice %arg13[%dma_wait3A_199] : memref<6400xi32, #tpu.memory_space<vmem>> -> memref<640xi32, #tpu.memory_space<vmem>>
    %dma_wait3A_201 = arith.constant 0 : i32
    %dma_wait3A_202 = tpu.memref_slice %arg21[%dma_wait3A_201] : memref<507904xi32, #tpu.memory_space<vmem_shared>> -> memref<507904xi32, #tpu.memory_space<vmem_shared>>
    tpu.wait_indirect_dma semaphore(%arg23 : memref<!tpu.dma_semaphore, #tpu.memory_space<semaphore_mem>>) src(%dma_wait3A_202 : memref<507904xi32, #tpu.memory_space<vmem_shared>>) dst(%dma_wait3A_198 : memref<640xi32, #tpu.memory_space<vmem>>)
    %dma_wait3A_203 = arith.constant 3840 : i32
    %dma_wait3A_204 = tpu.memref_slice %arg14[%dma_wait3A_203] : memref<6400xf32, #tpu.memory_space<vmem>> -> memref<640xf32, #tpu.memory_space<vmem>>
    %dma_wait3A_205 = arith.constant 3840 : i32
    %dma_wait3A_206 = tpu.memref_slice %arg11[%dma_wait3A_205] : memref<6400xi32, #tpu.memory_space<vmem>> -> memref<640xi32, #tpu.memory_space<vmem>>
    %dma_wait3A_207 = arith.constant 0 : i32
    %dma_wait3A_208 = tpu.memref_slice %arg20[%dma_wait3A_207] : memref<102400xf32, #tpu.memory_space<vmem_shared>> -> memref<102400xf32, #tpu.memory_space<vmem_shared>>
    tpu.wait_indirect_dma semaphore(%arg22 : memref<!tpu.dma_semaphore, #tpu.memory_space<semaphore_mem>>) src(%dma_wait3A_208 : memref<102400xf32, #tpu.memory_space<vmem_shared>>) dst(%dma_wait3A_204 : memref<640xf32, #tpu.memory_space<vmem>>)
    %dma_wait3A_209 = arith.constant 4480 : i32
    %dma_wait3A_210 = tpu.memref_slice %arg15[%dma_wait3A_209] : memref<6400xi32, #tpu.memory_space<vmem>> -> memref<640xi32, #tpu.memory_space<vmem>>
    %dma_wait3A_211 = arith.constant 4480 : i32
    %dma_wait3A_212 = tpu.memref_slice %arg13[%dma_wait3A_211] : memref<6400xi32, #tpu.memory_space<vmem>> -> memref<640xi32, #tpu.memory_space<vmem>>
    %dma_wait3A_213 = arith.constant 0 : i32
    %dma_wait3A_214 = tpu.memref_slice %arg21[%dma_wait3A_213] : memref<507904xi32, #tpu.memory_space<vmem_shared>> -> memref<507904xi32, #tpu.memory_space<vmem_shared>>
    tpu.wait_indirect_dma semaphore(%arg23 : memref<!tpu.dma_semaphore, #tpu.memory_space<semaphore_mem>>) src(%dma_wait3A_214 : memref<507904xi32, #tpu.memory_space<vmem_shared>>) dst(%dma_wait3A_210 : memref<640xi32, #tpu.memory_space<vmem>>)
    %dma_wait3A_215 = arith.constant 4480 : i32
    %dma_wait3A_216 = tpu.memref_slice %arg14[%dma_wait3A_215] : memref<6400xf32, #tpu.memory_space<vmem>> -> memref<640xf32, #tpu.memory_space<vmem>>
    %dma_wait3A_217 = arith.constant 4480 : i32
    %dma_wait3A_218 = tpu.memref_slice %arg11[%dma_wait3A_217] : memref<6400xi32, #tpu.memory_space<vmem>> -> memref<640xi32, #tpu.memory_space<vmem>>
    %dma_wait3A_219 = arith.constant 0 : i32
    %dma_wait3A_220 = tpu.memref_slice %arg20[%dma_wait3A_219] : memref<102400xf32, #tpu.memory_space<vmem_shared>> -> memref<102400xf32, #tpu.memory_space<vmem_shared>>
    tpu.wait_indirect_dma semaphore(%arg22 : memref<!tpu.dma_semaphore, #tpu.memory_space<semaphore_mem>>) src(%dma_wait3A_220 : memref<102400xf32, #tpu.memory_space<vmem_shared>>) dst(%dma_wait3A_216 : memref<640xf32, #tpu.memory_space<vmem>>)
    %dma_wait3A_221 = arith.constant 5120 : i32
    %dma_wait3A_222 = tpu.memref_slice %arg15[%dma_wait3A_221] : memref<6400xi32, #tpu.memory_space<vmem>> -> memref<640xi32, #tpu.memory_space<vmem>>
    %dma_wait3A_223 = arith.constant 5120 : i32
    %dma_wait3A_224 = tpu.memref_slice %arg13[%dma_wait3A_223] : memref<6400xi32, #tpu.memory_space<vmem>> -> memref<640xi32, #tpu.memory_space<vmem>>
    %dma_wait3A_225 = arith.constant 0 : i32
    %dma_wait3A_226 = tpu.memref_slice %arg21[%dma_wait3A_225] : memref<507904xi32, #tpu.memory_space<vmem_shared>> -> memref<507904xi32, #tpu.memory_space<vmem_shared>>
    tpu.wait_indirect_dma semaphore(%arg23 : memref<!tpu.dma_semaphore, #tpu.memory_space<semaphore_mem>>) src(%dma_wait3A_226 : memref<507904xi32, #tpu.memory_space<vmem_shared>>) dst(%dma_wait3A_222 : memref<640xi32, #tpu.memory_space<vmem>>)
    %dma_wait3A_227 = arith.constant 5120 : i32
    %dma_wait3A_228 = tpu.memref_slice %arg14[%dma_wait3A_227] : memref<6400xf32, #tpu.memory_space<vmem>> -> memref<640xf32, #tpu.memory_space<vmem>>
    %dma_wait3A_229 = arith.constant 5120 : i32
    %dma_wait3A_230 = tpu.memref_slice %arg11[%dma_wait3A_229] : memref<6400xi32, #tpu.memory_space<vmem>> -> memref<640xi32, #tpu.memory_space<vmem>>
    %dma_wait3A_231 = arith.constant 0 : i32
    %dma_wait3A_232 = tpu.memref_slice %arg20[%dma_wait3A_231] : memref<102400xf32, #tpu.memory_space<vmem_shared>> -> memref<102400xf32, #tpu.memory_space<vmem_shared>>
    tpu.wait_indirect_dma semaphore(%arg22 : memref<!tpu.dma_semaphore, #tpu.memory_space<semaphore_mem>>) src(%dma_wait3A_232 : memref<102400xf32, #tpu.memory_space<vmem_shared>>) dst(%dma_wait3A_228 : memref<640xf32, #tpu.memory_space<vmem>>)
    %dma_wait3A_233 = arith.constant 5760 : i32
    %dma_wait3A_234 = tpu.memref_slice %arg15[%dma_wait3A_233] : memref<6400xi32, #tpu.memory_space<vmem>> -> memref<640xi32, #tpu.memory_space<vmem>>
    %dma_wait3A_235 = arith.constant 5760 : i32
    %dma_wait3A_236 = tpu.memref_slice %arg13[%dma_wait3A_235] : memref<6400xi32, #tpu.memory_space<vmem>> -> memref<640xi32, #tpu.memory_space<vmem>>
    %dma_wait3A_237 = arith.constant 0 : i32
    %dma_wait3A_238 = tpu.memref_slice %arg21[%dma_wait3A_237] : memref<507904xi32, #tpu.memory_space<vmem_shared>> -> memref<507904xi32, #tpu.memory_space<vmem_shared>>
    tpu.wait_indirect_dma semaphore(%arg23 : memref<!tpu.dma_semaphore, #tpu.memory_space<semaphore_mem>>) src(%dma_wait3A_238 : memref<507904xi32, #tpu.memory_space<vmem_shared>>) dst(%dma_wait3A_234 : memref<640xi32, #tpu.memory_space<vmem>>)
    %dma_wait3A_239 = arith.constant 5760 : i32
    %dma_wait3A_240 = tpu.memref_slice %arg14[%dma_wait3A_239] : memref<6400xf32, #tpu.memory_space<vmem>> -> memref<640xf32, #tpu.memory_space<vmem>>
    %dma_wait3A_241 = arith.constant 5760 : i32
    %dma_wait3A_242 = tpu.memref_slice %arg11[%dma_wait3A_241] : memref<6400xi32, #tpu.memory_space<vmem>> -> memref<640xi32, #tpu.memory_space<vmem>>
    %dma_wait3A_243 = arith.constant 0 : i32
    %dma_wait3A_244 = tpu.memref_slice %arg20[%dma_wait3A_243] : memref<102400xf32, #tpu.memory_space<vmem_shared>> -> memref<102400xf32, #tpu.memory_space<vmem_shared>>
    tpu.wait_indirect_dma semaphore(%arg22 : memref<!tpu.dma_semaphore, #tpu.memory_space<semaphore_mem>>) src(%dma_wait3A_244 : memref<102400xf32, #tpu.memory_space<vmem_shared>>) dst(%dma_wait3A_240 : memref<640xf32, #tpu.memory_space<vmem>>)
    %broadcast_in_dim3A = arith.constant 1 : i32
    %broadcast_in_dim3A_245 = vector.broadcast %broadcast_in_dim3A : i32 to vector<16xi32>
    %broadcast_in_dim3A_246 = arith.constant 0 : i32
    %broadcast_in_dim3A_247 = vector.broadcast %broadcast_in_dim3A_246 : i32 to vector<16xi32>
    %broadcast_in_dim3A_248 = arith.constant 507904 : i32
    %broadcast_in_dim3A_249 = vector.broadcast %broadcast_in_dim3A_248 : i32 to vector<16xi32>
    %broadcast_in_dim3A_250 = arith.constant -65536 : i32
    %broadcast_in_dim3A_251 = vector.broadcast %broadcast_in_dim3A_250 : i32 to vector<16xi32>
    %broadcast_in_dim3A_252 = arith.constant 16 : i32
    %broadcast_in_dim3A_253 = vector.broadcast %broadcast_in_dim3A_252 : i32 to vector<16xi32>
    %scan3A = arith.constant 0 : i32
    %scan3A_254 = arith.constant 0 : i32
    %scan3A_255 = arith.constant 400 : i32
    %scan3A_256 = arith.addi %scan3A_254, %scan3A_255 : i32
    %scan3A_257 = arith.constant 1 : i32
    scf.for %scan3A_259 = %scan3A_254 to %scan3A_256 step %scan3A_257  : i32 {
      %mul3A_260 = arith.constant 16 : i32
      %mul3A_261 = arith.muli %scan3A_259, %mul3A_260 : i32
      %get3A = arith.index_cast %mul3A_261 : i32 to index
      %get3A_262 = tpu.vector_load %arg15[%get3A] {strides = array<i32>} : memref<6400xi32, #tpu.memory_space<vmem>>, vector<16xi32>,
      %get3A_263 = vector.shape_cast %get3A_262 : vector<16xi32> to vector<16xi32>
      %get3A_264 = arith.index_cast %mul3A_261 : i32 to index
      %get3A_265 = tpu.vector_load %arg12[%get3A_264] {strides = array<i32>} : memref<6400xi32, #tpu.memory_space<vmem>>, vector<16xi32>,
      %get3A_266 = vector.shape_cast %get3A_265 : vector<16xi32> to vector<16xi32>
      %ge3A = arith.cmpi sge, %get3A_266, %broadcast_in_dim3A_249 : vector<16xi32>
      %select_n3A = arith.select %ge3A, %broadcast_in_dim3A_245, %broadcast_in_dim3A_247 : vector<16xi1>, vector<16xi32>
      %sub3A = arith.subi %broadcast_in_dim3A_245, %select_n3A : vector<16xi32>
      %mul3A_267 = arith.muli %sub3A, %broadcast_in_dim3A_253 : vector<16xi32>
      %shift_left3A = arith.shli %get3A_263, %mul3A_267 : vector<16xi32>
      %and3A = arith.andi %shift_left3A, %broadcast_in_dim3A_251 : vector<16xi32>
      %bitcast_convert_type3A = tpu.bitcast %and3A : vector<16xi32> -> vector<16xf32>
      %get3A_268 = arith.index_cast %mul3A_261 : i32 to index
      %get3A_269 = tpu.vector_load %arg14[%get3A_268] {strides = array<i32>} : memref<6400xf32, #tpu.memory_space<vmem>>, vector<16xf32>,
      %get3A_270 = vector.shape_cast %get3A_269 : vector<16xf32> to vector<16xf32>
      %add3A_271 = arith.addf %get3A_270, %bitcast_convert_type3A : vector<16xf32>
      %get3A_272 = arith.index_cast %mul3A_261 : i32 to index
      %get3A_273 = tpu.vector_load %arg17[%get3A_272] {strides = array<i32>} : memref<6400xf32, #tpu.memory_space<vmem>>, vector<16xf32>,
      %get3A_274 = vector.shape_cast %get3A_273 : vector<16xf32> to vector<16xf32>
      %add3A_275 = arith.addf %add3A_271, %get3A_274 : vector<16xf32>
      %neg3A = arith.constant 0.000000e+00 : f32
      %neg3A_276 = vector.broadcast %neg3A : f32 to vector<16xf32>
      %neg3A_277 = arith.subf %neg3A_276, %add3A_275 : vector<16xf32>
      %exp3A = math.exp %neg3A_277 : vector<16xf32>
      %add3A_278 = arith.constant 1.000000e+00 : f32
      %add3A_279 = vector.broadcast %add3A_278 : f32 to vector<16xf32>
      %add3A_280 = arith.addf %add3A_279, %exp3A : vector<16xf32>
      %div3A = arith.constant 1.000000e+00 : f32
      %div3A_281 = vector.broadcast %div3A : f32 to vector<16xf32>
      %div3A_282 = arith.divf %div3A_281, %add3A_280 : vector<16xf32>
      %swap3A = arith.index_cast %mul3A_261 : i32 to index
      %swap3A_283 = tpu.vector_load %arg19[%swap3A] {strides = array<i32>} : memref<6400xf32, #tpu.memory_space<vmem>>, vector<16xf32>,
      %swap3A_284 = vector.shape_cast %swap3A_283 : vector<16xf32> to vector<16xf32>
      %swap3A_285 = vector.shape_cast %div3A_282 : vector<16xf32> to vector<16xf32>
      tpu.vector_store %arg19[%swap3A], %swap3A_285 {strides = array<i32>} : memref<6400xf32, #tpu.memory_space<vmem>>, vector<16xf32>,
      %get3A_286 = arith.index_cast %mul3A_261 : i32 to index
      %get3A_287 = tpu.vector_load %arg16[%get3A_286] {strides = array<i32>} : memref<6400xf32, #tpu.memory_space<vmem>>, vector<16xf32>,
      %get3A_288 = vector.shape_cast %get3A_287 : vector<16xf32> to vector<16xf32>
      %mul3A_289 = arith.mulf %div3A_282, %get3A_288 : vector<16xf32>
      %swap3A_290 = arith.index_cast %mul3A_261 : i32 to index
      %swap3A_291 = tpu.vector_load %arg18[%swap3A_290] {strides = array<i32>} : memref<6400xf32, #tpu.memory_space<vmem>>, vector<16xf32>,
      %swap3A_292 = vector.shape_cast %swap3A_291 : vector<16xf32> to vector<16xf32>
      %swap3A_293 = vector.shape_cast %mul3A_289 : vector<16xf32> to vector<16xf32>
      tpu.vector_store %arg18[%swap3A_290], %swap3A_293 {strides = array<i32>} : memref<6400xf32, #tpu.memory_space<vmem>>, vector<16xf32>,
    }
    %scan3A_258 = arith.constant 400 : i32
    "tpu.region"() ({
      %run_scoped3A = tpu.sem_alloc : memref<!tpu.dma_semaphore, #tpu.memory_space<semaphore_mem>>
      %dma_start3A_259 = tpu.memref_slice %arg9[%mul3A_2] : memref<204800xf32, #tpu.memory_space<hbm>> -> memref<6400xf32, #tpu.memory_space<hbm>>
      %dma_start3A_260 = tpu.memref_slice %arg9[%mul3A_2] : memref<204800xf32, #tpu.memory_space<hbm>> -> memref<6400xf32, #tpu.memory_space<hbm>>
      tpu.enqueue_dma source(%arg18 : memref<6400xf32, #tpu.memory_space<vmem>>) target(%dma_start3A_260 : memref<6400xf32, #tpu.memory_space<hbm>>) target_semaphore(%run_scoped3A : memref<!tpu.dma_semaphore, #tpu.memory_space<semaphore_mem>>)
      %dma_wait3A_261 = tpu.memref_slice %arg9[%mul3A_2] : memref<204800xf32, #tpu.memory_space<hbm>> -> memref<6400xf32, #tpu.memory_space<hbm>>
      %dma_wait3A_262 = tpu.memref_slice %arg9[%mul3A_2] : memref<204800xf32, #tpu.memory_space<hbm>> -> memref<6400xf32, #tpu.memory_space<hbm>>
      tpu.wait_dma2 semaphore(%run_scoped3A : memref<!tpu.dma_semaphore, #tpu.memory_space<semaphore_mem>>) src(%arg18 : memref<6400xf32, #tpu.memory_space<vmem>>) dst(%dma_wait3A_262 : memref<6400xf32, #tpu.memory_space<hbm>>)
      tpu.yield
    }) : () -> ()
    "tpu.region"() ({
      %run_scoped3A = tpu.sem_alloc : memref<!tpu.dma_semaphore, #tpu.memory_space<semaphore_mem>>
      %dma_start3A_259 = tpu.memref_slice %arg10[%mul3A_2] : memref<204800xf32, #tpu.memory_space<hbm>> -> memref<6400xf32, #tpu.memory_space<hbm>>
      %dma_start3A_260 = tpu.memref_slice %arg10[%mul3A_2] : memref<204800xf32, #tpu.memory_space<hbm>> -> memref<6400xf32, #tpu.memory_space<hbm>>
      tpu.enqueue_dma source(%arg19 : memref<6400xf32, #tpu.memory_space<vmem>>) target(%dma_start3A_260 : memref<6400xf32, #tpu.memory_space<hbm>>) target_semaphore(%run_scoped3A : memref<!tpu.dma_semaphore, #tpu.memory_space<semaphore_mem>>)
      %dma_wait3A_261 = tpu.memref_slice %arg10[%mul3A_2] : memref<204800xf32, #tpu.memory_space<hbm>> -> memref<6400xf32, #tpu.memory_space<hbm>>
      %dma_wait3A_262 = tpu.memref_slice %arg10[%mul3A_2] : memref<204800xf32, #tpu.memory_space<hbm>> -> memref<6400xf32, #tpu.memory_space<hbm>>
      tpu.wait_dma2 semaphore(%run_scoped3A : memref<!tpu.dma_semaphore, #tpu.memory_space<semaphore_mem>>) src(%arg19 : memref<6400xf32, #tpu.memory_space<vmem>>) dst(%dma_wait3A_262 : memref<6400xf32, #tpu.memory_space<hbm>>)
      tpu.yield
    }) : () -> ()
    return
  }
}

#map = affine_map<(d0, d1) -> (0)>
module attributes {stable_mosaic.version = 14 : i64} {
  func.func @sc_exam(%arg0: i32, %arg1: i32, %arg2: memref<204800xi32, #tpu.memory_space<hbm>>, %arg3: memref<204800xi32, #tpu.memory_space<hbm>>, %arg4: memref<128xi32, #tpu.memory_space<hbm>>, %arg5: memref<6400xf32, #tpu.memory_space<hbm>>, %arg6: memref<6400xf32, #tpu.memory_space<hbm>>, %arg7: memref<16xf32, #tpu.memory_space<hbm>>, %arg8: memref<16xf32, #tpu.memory_space<hbm>>, %arg9: memref<204800xf32, #tpu.memory_space<hbm>>, %arg10: memref<204800xf32, #tpu.memory_space<hbm>>, %arg11: memref<6400xi32, #tpu.memory_space<vmem>>, %arg12: memref<6400xi32, #tpu.memory_space<vmem>>, %arg13: memref<6400xi32, #tpu.memory_space<vmem>>, %arg14: memref<6400xf32, #tpu.memory_space<vmem>>, %arg15: memref<6400xf32, #tpu.memory_space<vmem>>, %arg16: memref<16xf32, #tpu.memory_space<vmem>>, %arg17: memref<16xf32, #tpu.memory_space<vmem>>, %arg18: memref<6400xf32, #tpu.memory_space<vmem>>, %arg19: memref<6400xf32, #tpu.memory_space<vmem>>, %arg20: memref<128xi32, #tpu.memory_space<vmem_shared>>, %arg21: memref<!tpu.dma_semaphore, #tpu.memory_space<semaphore_mem>>) attributes {dimension_semantics = [#tpu.dimension_semantics<core_parallel>, #tpu.dimension_semantics<subcore_parallel>], iteration_bounds = array<i64: 2, 16>, scalar_prefetch = 0 : i64, scratch_operands = 11 : i64, tpu.core_type = #tpu.core_type<sc_vector_subcore>, window_params = [{transform_indices = #map}, {transform_indices = #map}, {transform_indices = #map}, {transform_indices = #map}, {transform_indices = #map}, {transform_indices = #map}, {transform_indices = #map}, {transform_indices = #map}, {transform_indices = #map}]} {
    %mul3A = arith.constant 2 : i32
    %mul3A_0 = arith.muli %arg1, %mul3A : i32
    %add3A = arith.addi %mul3A_0, %arg0 : i32
    %mul3A_1 = arith.constant 6400 : i32
    %mul3A_2 = arith.muli %add3A, %mul3A_1 : i32
    %eq3A = arith.constant 0 : i32
    %eq3A_3 = arith.cmpi eq, %arg1, %eq3A : i32
    %convert_element_type3A = arith.extui %eq3A_3 : i1 to i32
    %cond3A = arith.constant 0 : i32
    %cond3A_4 = arith.cmpi ne, %convert_element_type3A, %cond3A : i32
    scf.if %cond3A_4 {
      "tpu.region"() ({
        %run_scoped3A = tpu.sem_alloc : memref<!tpu.dma_semaphore, #tpu.memory_space<semaphore_mem>>
        tpu.enqueue_dma source(%arg4 : memref<128xi32, #tpu.memory_space<hbm>>) target(%arg20 : memref<128xi32, #tpu.memory_space<vmem_shared>>) target_semaphore(%run_scoped3A : memref<!tpu.dma_semaphore, #tpu.memory_space<semaphore_mem>>)
        tpu.wait_dma2 semaphore(%run_scoped3A : memref<!tpu.dma_semaphore, #tpu.memory_space<semaphore_mem>>) src(%arg4 : memref<128xi32, #tpu.memory_space<hbm>>) dst(%arg20 : memref<128xi32, #tpu.memory_space<vmem_shared>>)
        tpu.yield
      }) : () -> ()
    } else {
    }
    "tpu.region"() ({
      %run_scoped3A = tpu.sem_alloc : memref<!tpu.dma_semaphore, #tpu.memory_space<semaphore_mem>>
      %dma_start3A_136 = tpu.memref_slice %arg2[%mul3A_2] : memref<204800xi32, #tpu.memory_space<hbm>> -> memref<6400xi32, #tpu.memory_space<hbm>>
      %dma_start3A_137 = tpu.memref_slice %arg2[%mul3A_2] : memref<204800xi32, #tpu.memory_space<hbm>> -> memref<6400xi32, #tpu.memory_space<hbm>>
      tpu.enqueue_dma source(%dma_start3A_137 : memref<6400xi32, #tpu.memory_space<hbm>>) target(%arg11 : memref<6400xi32, #tpu.memory_space<vmem>>) target_semaphore(%run_scoped3A : memref<!tpu.dma_semaphore, #tpu.memory_space<semaphore_mem>>)
      %dma_wait3A_138 = tpu.memref_slice %arg2[%mul3A_2] : memref<204800xi32, #tpu.memory_space<hbm>> -> memref<6400xi32, #tpu.memory_space<hbm>>
      %dma_wait3A_139 = tpu.memref_slice %arg2[%mul3A_2] : memref<204800xi32, #tpu.memory_space<hbm>> -> memref<6400xi32, #tpu.memory_space<hbm>>
      tpu.wait_dma2 semaphore(%run_scoped3A : memref<!tpu.dma_semaphore, #tpu.memory_space<semaphore_mem>>) src(%dma_wait3A_139 : memref<6400xi32, #tpu.memory_space<hbm>>) dst(%arg11 : memref<6400xi32, #tpu.memory_space<vmem>>)
      tpu.yield
    }) : () -> ()
    "tpu.region"() ({
      %run_scoped3A = tpu.sem_alloc : memref<!tpu.dma_semaphore, #tpu.memory_space<semaphore_mem>>
      %dma_start3A_136 = tpu.memref_slice %arg3[%mul3A_2] : memref<204800xi32, #tpu.memory_space<hbm>> -> memref<6400xi32, #tpu.memory_space<hbm>>
      %dma_start3A_137 = tpu.memref_slice %arg3[%mul3A_2] : memref<204800xi32, #tpu.memory_space<hbm>> -> memref<6400xi32, #tpu.memory_space<hbm>>
      tpu.enqueue_dma source(%dma_start3A_137 : memref<6400xi32, #tpu.memory_space<hbm>>) target(%arg12 : memref<6400xi32, #tpu.memory_space<vmem>>) target_semaphore(%run_scoped3A : memref<!tpu.dma_semaphore, #tpu.memory_space<semaphore_mem>>)
      %dma_wait3A_138 = tpu.memref_slice %arg3[%mul3A_2] : memref<204800xi32, #tpu.memory_space<hbm>> -> memref<6400xi32, #tpu.memory_space<hbm>>
      %dma_wait3A_139 = tpu.memref_slice %arg3[%mul3A_2] : memref<204800xi32, #tpu.memory_space<hbm>> -> memref<6400xi32, #tpu.memory_space<hbm>>
      tpu.wait_dma2 semaphore(%run_scoped3A : memref<!tpu.dma_semaphore, #tpu.memory_space<semaphore_mem>>) src(%dma_wait3A_139 : memref<6400xi32, #tpu.memory_space<hbm>>) dst(%arg12 : memref<6400xi32, #tpu.memory_space<vmem>>)
      tpu.yield
    }) : () -> ()
    "tpu.region"() ({
      %run_scoped3A = tpu.sem_alloc : memref<!tpu.dma_semaphore, #tpu.memory_space<semaphore_mem>>
      tpu.enqueue_dma source(%arg5 : memref<6400xf32, #tpu.memory_space<hbm>>) target(%arg14 : memref<6400xf32, #tpu.memory_space<vmem>>) target_semaphore(%run_scoped3A : memref<!tpu.dma_semaphore, #tpu.memory_space<semaphore_mem>>)
      tpu.wait_dma2 semaphore(%run_scoped3A : memref<!tpu.dma_semaphore, #tpu.memory_space<semaphore_mem>>) src(%arg5 : memref<6400xf32, #tpu.memory_space<hbm>>) dst(%arg14 : memref<6400xf32, #tpu.memory_space<vmem>>)
      tpu.yield
    }) : () -> ()
    "tpu.region"() ({
      %run_scoped3A = tpu.sem_alloc : memref<!tpu.dma_semaphore, #tpu.memory_space<semaphore_mem>>
      tpu.enqueue_dma source(%arg6 : memref<6400xf32, #tpu.memory_space<hbm>>) target(%arg15 : memref<6400xf32, #tpu.memory_space<vmem>>) target_semaphore(%run_scoped3A : memref<!tpu.dma_semaphore, #tpu.memory_space<semaphore_mem>>)
      tpu.wait_dma2 semaphore(%run_scoped3A : memref<!tpu.dma_semaphore, #tpu.memory_space<semaphore_mem>>) src(%arg6 : memref<6400xf32, #tpu.memory_space<hbm>>) dst(%arg15 : memref<6400xf32, #tpu.memory_space<vmem>>)
      tpu.yield
    }) : () -> ()
    "tpu.region"() ({
      %run_scoped3A = tpu.sem_alloc : memref<!tpu.dma_semaphore, #tpu.memory_space<semaphore_mem>>
      tpu.enqueue_dma source(%arg7 : memref<16xf32, #tpu.memory_space<hbm>>) target(%arg16 : memref<16xf32, #tpu.memory_space<vmem>>) target_semaphore(%run_scoped3A : memref<!tpu.dma_semaphore, #tpu.memory_space<semaphore_mem>>)
      tpu.wait_dma2 semaphore(%run_scoped3A : memref<!tpu.dma_semaphore, #tpu.memory_space<semaphore_mem>>) src(%arg7 : memref<16xf32, #tpu.memory_space<hbm>>) dst(%arg16 : memref<16xf32, #tpu.memory_space<vmem>>)
      tpu.yield
    }) : () -> ()
    "tpu.region"() ({
      %run_scoped3A = tpu.sem_alloc : memref<!tpu.dma_semaphore, #tpu.memory_space<semaphore_mem>>
      tpu.enqueue_dma source(%arg8 : memref<16xf32, #tpu.memory_space<hbm>>) target(%arg17 : memref<16xf32, #tpu.memory_space<vmem>>) target_semaphore(%run_scoped3A : memref<!tpu.dma_semaphore, #tpu.memory_space<semaphore_mem>>)
      tpu.wait_dma2 semaphore(%run_scoped3A : memref<!tpu.dma_semaphore, #tpu.memory_space<semaphore_mem>>) src(%arg8 : memref<16xf32, #tpu.memory_space<hbm>>) dst(%arg17 : memref<16xf32, #tpu.memory_space<vmem>>)
      tpu.yield
    }) : () -> ()
    %barrier3A = arith.constant 0 : index
    tpu.barrier barrier_id(%barrier3A)
    %dma_start3A = arith.constant 0 : i32
    %dma_start3A_5 = tpu.memref_slice %arg13[%dma_start3A] : memref<6400xi32, #tpu.memory_space<vmem>> -> memref<640xi32, #tpu.memory_space<vmem>>
    %dma_start3A_6 = arith.constant 0 : i32
    %dma_start3A_7 = tpu.memref_slice %arg11[%dma_start3A_6] : memref<6400xi32, #tpu.memory_space<vmem>> -> memref<640xi32, #tpu.memory_space<vmem>>
    %dma_start3A_8 = arith.constant 0 : i32
    %dma_start3A_9 = tpu.memref_slice %arg20[%dma_start3A_8] : memref<128xi32, #tpu.memory_space<vmem_shared>> -> memref<128xi32, #tpu.memory_space<vmem_shared>>
    tpu.enqueue_indirect_dma source(%dma_start3A_9 : memref<128xi32, #tpu.memory_space<vmem_shared>>) target(%dma_start3A_5 : memref<640xi32, #tpu.memory_space<vmem>>) offsets(%dma_start3A_7 : memref<640xi32, #tpu.memory_space<vmem>>) semaphore(%arg21 : memref<!tpu.dma_semaphore, #tpu.memory_space<semaphore_mem>>)
    %dma_start3A_10 = arith.constant 640 : i32
    %dma_start3A_11 = tpu.memref_slice %arg13[%dma_start3A_10] : memref<6400xi32, #tpu.memory_space<vmem>> -> memref<640xi32, #tpu.memory_space<vmem>>
    %dma_start3A_12 = arith.constant 640 : i32
    %dma_start3A_13 = tpu.memref_slice %arg11[%dma_start3A_12] : memref<6400xi32, #tpu.memory_space<vmem>> -> memref<640xi32, #tpu.memory_space<vmem>>
    %dma_start3A_14 = arith.constant 0 : i32
    %dma_start3A_15 = tpu.memref_slice %arg20[%dma_start3A_14] : memref<128xi32, #tpu.memory_space<vmem_shared>> -> memref<128xi32, #tpu.memory_space<vmem_shared>>
    tpu.enqueue_indirect_dma source(%dma_start3A_15 : memref<128xi32, #tpu.memory_space<vmem_shared>>) target(%dma_start3A_11 : memref<640xi32, #tpu.memory_space<vmem>>) offsets(%dma_start3A_13 : memref<640xi32, #tpu.memory_space<vmem>>) semaphore(%arg21 : memref<!tpu.dma_semaphore, #tpu.memory_space<semaphore_mem>>)
    %dma_start3A_16 = arith.constant 1280 : i32
    %dma_start3A_17 = tpu.memref_slice %arg13[%dma_start3A_16] : memref<6400xi32, #tpu.memory_space<vmem>> -> memref<640xi32, #tpu.memory_space<vmem>>
    %dma_start3A_18 = arith.constant 1280 : i32
    %dma_start3A_19 = tpu.memref_slice %arg11[%dma_start3A_18] : memref<6400xi32, #tpu.memory_space<vmem>> -> memref<640xi32, #tpu.memory_space<vmem>>
    %dma_start3A_20 = arith.constant 0 : i32
    %dma_start3A_21 = tpu.memref_slice %arg20[%dma_start3A_20] : memref<128xi32, #tpu.memory_space<vmem_shared>> -> memref<128xi32, #tpu.memory_space<vmem_shared>>
    tpu.enqueue_indirect_dma source(%dma_start3A_21 : memref<128xi32, #tpu.memory_space<vmem_shared>>) target(%dma_start3A_17 : memref<640xi32, #tpu.memory_space<vmem>>) offsets(%dma_start3A_19 : memref<640xi32, #tpu.memory_space<vmem>>) semaphore(%arg21 : memref<!tpu.dma_semaphore, #tpu.memory_space<semaphore_mem>>)
    %dma_start3A_22 = arith.constant 1920 : i32
    %dma_start3A_23 = tpu.memref_slice %arg13[%dma_start3A_22] : memref<6400xi32, #tpu.memory_space<vmem>> -> memref<640xi32, #tpu.memory_space<vmem>>
    %dma_start3A_24 = arith.constant 1920 : i32
    %dma_start3A_25 = tpu.memref_slice %arg11[%dma_start3A_24] : memref<6400xi32, #tpu.memory_space<vmem>> -> memref<640xi32, #tpu.memory_space<vmem>>
    %dma_start3A_26 = arith.constant 0 : i32
    %dma_start3A_27 = tpu.memref_slice %arg20[%dma_start3A_26] : memref<128xi32, #tpu.memory_space<vmem_shared>> -> memref<128xi32, #tpu.memory_space<vmem_shared>>
    tpu.enqueue_indirect_dma source(%dma_start3A_27 : memref<128xi32, #tpu.memory_space<vmem_shared>>) target(%dma_start3A_23 : memref<640xi32, #tpu.memory_space<vmem>>) offsets(%dma_start3A_25 : memref<640xi32, #tpu.memory_space<vmem>>) semaphore(%arg21 : memref<!tpu.dma_semaphore, #tpu.memory_space<semaphore_mem>>)
    %dma_start3A_28 = arith.constant 2560 : i32
    %dma_start3A_29 = tpu.memref_slice %arg13[%dma_start3A_28] : memref<6400xi32, #tpu.memory_space<vmem>> -> memref<640xi32, #tpu.memory_space<vmem>>
    %dma_start3A_30 = arith.constant 2560 : i32
    %dma_start3A_31 = tpu.memref_slice %arg11[%dma_start3A_30] : memref<6400xi32, #tpu.memory_space<vmem>> -> memref<640xi32, #tpu.memory_space<vmem>>
    %dma_start3A_32 = arith.constant 0 : i32
    %dma_start3A_33 = tpu.memref_slice %arg20[%dma_start3A_32] : memref<128xi32, #tpu.memory_space<vmem_shared>> -> memref<128xi32, #tpu.memory_space<vmem_shared>>
    tpu.enqueue_indirect_dma source(%dma_start3A_33 : memref<128xi32, #tpu.memory_space<vmem_shared>>) target(%dma_start3A_29 : memref<640xi32, #tpu.memory_space<vmem>>) offsets(%dma_start3A_31 : memref<640xi32, #tpu.memory_space<vmem>>) semaphore(%arg21 : memref<!tpu.dma_semaphore, #tpu.memory_space<semaphore_mem>>)
    %dma_start3A_34 = arith.constant 3200 : i32
    %dma_start3A_35 = tpu.memref_slice %arg13[%dma_start3A_34] : memref<6400xi32, #tpu.memory_space<vmem>> -> memref<640xi32, #tpu.memory_space<vmem>>
    %dma_start3A_36 = arith.constant 3200 : i32
    %dma_start3A_37 = tpu.memref_slice %arg11[%dma_start3A_36] : memref<6400xi32, #tpu.memory_space<vmem>> -> memref<640xi32, #tpu.memory_space<vmem>>
    %dma_start3A_38 = arith.constant 0 : i32
    %dma_start3A_39 = tpu.memref_slice %arg20[%dma_start3A_38] : memref<128xi32, #tpu.memory_space<vmem_shared>> -> memref<128xi32, #tpu.memory_space<vmem_shared>>
    tpu.enqueue_indirect_dma source(%dma_start3A_39 : memref<128xi32, #tpu.memory_space<vmem_shared>>) target(%dma_start3A_35 : memref<640xi32, #tpu.memory_space<vmem>>) offsets(%dma_start3A_37 : memref<640xi32, #tpu.memory_space<vmem>>) semaphore(%arg21 : memref<!tpu.dma_semaphore, #tpu.memory_space<semaphore_mem>>)
    %dma_start3A_40 = arith.constant 3840 : i32
    %dma_start3A_41 = tpu.memref_slice %arg13[%dma_start3A_40] : memref<6400xi32, #tpu.memory_space<vmem>> -> memref<640xi32, #tpu.memory_space<vmem>>
    %dma_start3A_42 = arith.constant 3840 : i32
    %dma_start3A_43 = tpu.memref_slice %arg11[%dma_start3A_42] : memref<6400xi32, #tpu.memory_space<vmem>> -> memref<640xi32, #tpu.memory_space<vmem>>
    %dma_start3A_44 = arith.constant 0 : i32
    %dma_start3A_45 = tpu.memref_slice %arg20[%dma_start3A_44] : memref<128xi32, #tpu.memory_space<vmem_shared>> -> memref<128xi32, #tpu.memory_space<vmem_shared>>
    tpu.enqueue_indirect_dma source(%dma_start3A_45 : memref<128xi32, #tpu.memory_space<vmem_shared>>) target(%dma_start3A_41 : memref<640xi32, #tpu.memory_space<vmem>>) offsets(%dma_start3A_43 : memref<640xi32, #tpu.memory_space<vmem>>) semaphore(%arg21 : memref<!tpu.dma_semaphore, #tpu.memory_space<semaphore_mem>>)
    %dma_start3A_46 = arith.constant 4480 : i32
    %dma_start3A_47 = tpu.memref_slice %arg13[%dma_start3A_46] : memref<6400xi32, #tpu.memory_space<vmem>> -> memref<640xi32, #tpu.memory_space<vmem>>
    %dma_start3A_48 = arith.constant 4480 : i32
    %dma_start3A_49 = tpu.memref_slice %arg11[%dma_start3A_48] : memref<6400xi32, #tpu.memory_space<vmem>> -> memref<640xi32, #tpu.memory_space<vmem>>
    %dma_start3A_50 = arith.constant 0 : i32
    %dma_start3A_51 = tpu.memref_slice %arg20[%dma_start3A_50] : memref<128xi32, #tpu.memory_space<vmem_shared>> -> memref<128xi32, #tpu.memory_space<vmem_shared>>
    tpu.enqueue_indirect_dma source(%dma_start3A_51 : memref<128xi32, #tpu.memory_space<vmem_shared>>) target(%dma_start3A_47 : memref<640xi32, #tpu.memory_space<vmem>>) offsets(%dma_start3A_49 : memref<640xi32, #tpu.memory_space<vmem>>) semaphore(%arg21 : memref<!tpu.dma_semaphore, #tpu.memory_space<semaphore_mem>>)
    %dma_start3A_52 = arith.constant 5120 : i32
    %dma_start3A_53 = tpu.memref_slice %arg13[%dma_start3A_52] : memref<6400xi32, #tpu.memory_space<vmem>> -> memref<640xi32, #tpu.memory_space<vmem>>
    %dma_start3A_54 = arith.constant 5120 : i32
    %dma_start3A_55 = tpu.memref_slice %arg11[%dma_start3A_54] : memref<6400xi32, #tpu.memory_space<vmem>> -> memref<640xi32, #tpu.memory_space<vmem>>
    %dma_start3A_56 = arith.constant 0 : i32
    %dma_start3A_57 = tpu.memref_slice %arg20[%dma_start3A_56] : memref<128xi32, #tpu.memory_space<vmem_shared>> -> memref<128xi32, #tpu.memory_space<vmem_shared>>
    tpu.enqueue_indirect_dma source(%dma_start3A_57 : memref<128xi32, #tpu.memory_space<vmem_shared>>) target(%dma_start3A_53 : memref<640xi32, #tpu.memory_space<vmem>>) offsets(%dma_start3A_55 : memref<640xi32, #tpu.memory_space<vmem>>) semaphore(%arg21 : memref<!tpu.dma_semaphore, #tpu.memory_space<semaphore_mem>>)
    %dma_start3A_58 = arith.constant 5760 : i32
    %dma_start3A_59 = tpu.memref_slice %arg13[%dma_start3A_58] : memref<6400xi32, #tpu.memory_space<vmem>> -> memref<640xi32, #tpu.memory_space<vmem>>
    %dma_start3A_60 = arith.constant 5760 : i32
    %dma_start3A_61 = tpu.memref_slice %arg11[%dma_start3A_60] : memref<6400xi32, #tpu.memory_space<vmem>> -> memref<640xi32, #tpu.memory_space<vmem>>
    %dma_start3A_62 = arith.constant 0 : i32
    %dma_start3A_63 = tpu.memref_slice %arg20[%dma_start3A_62] : memref<128xi32, #tpu.memory_space<vmem_shared>> -> memref<128xi32, #tpu.memory_space<vmem_shared>>
    tpu.enqueue_indirect_dma source(%dma_start3A_63 : memref<128xi32, #tpu.memory_space<vmem_shared>>) target(%dma_start3A_59 : memref<640xi32, #tpu.memory_space<vmem>>) offsets(%dma_start3A_61 : memref<640xi32, #tpu.memory_space<vmem>>) semaphore(%arg21 : memref<!tpu.dma_semaphore, #tpu.memory_space<semaphore_mem>>)
    %dma_wait3A = arith.constant 0 : i32
    %dma_wait3A_64 = tpu.memref_slice %arg13[%dma_wait3A] : memref<6400xi32, #tpu.memory_space<vmem>> -> memref<640xi32, #tpu.memory_space<vmem>>
    %dma_wait3A_65 = arith.constant 0 : i32
    %dma_wait3A_66 = tpu.memref_slice %arg11[%dma_wait3A_65] : memref<6400xi32, #tpu.memory_space<vmem>> -> memref<640xi32, #tpu.memory_space<vmem>>
    %dma_wait3A_67 = arith.constant 0 : i32
    %dma_wait3A_68 = tpu.memref_slice %arg20[%dma_wait3A_67] : memref<128xi32, #tpu.memory_space<vmem_shared>> -> memref<128xi32, #tpu.memory_space<vmem_shared>>
    tpu.wait_indirect_dma semaphore(%arg21 : memref<!tpu.dma_semaphore, #tpu.memory_space<semaphore_mem>>) src(%dma_wait3A_68 : memref<128xi32, #tpu.memory_space<vmem_shared>>) dst(%dma_wait3A_64 : memref<640xi32, #tpu.memory_space<vmem>>)
    %dma_wait3A_69 = arith.constant 640 : i32
    %dma_wait3A_70 = tpu.memref_slice %arg13[%dma_wait3A_69] : memref<6400xi32, #tpu.memory_space<vmem>> -> memref<640xi32, #tpu.memory_space<vmem>>
    %dma_wait3A_71 = arith.constant 640 : i32
    %dma_wait3A_72 = tpu.memref_slice %arg11[%dma_wait3A_71] : memref<6400xi32, #tpu.memory_space<vmem>> -> memref<640xi32, #tpu.memory_space<vmem>>
    %dma_wait3A_73 = arith.constant 0 : i32
    %dma_wait3A_74 = tpu.memref_slice %arg20[%dma_wait3A_73] : memref<128xi32, #tpu.memory_space<vmem_shared>> -> memref<128xi32, #tpu.memory_space<vmem_shared>>
    tpu.wait_indirect_dma semaphore(%arg21 : memref<!tpu.dma_semaphore, #tpu.memory_space<semaphore_mem>>) src(%dma_wait3A_74 : memref<128xi32, #tpu.memory_space<vmem_shared>>) dst(%dma_wait3A_70 : memref<640xi32, #tpu.memory_space<vmem>>)
    %dma_wait3A_75 = arith.constant 1280 : i32
    %dma_wait3A_76 = tpu.memref_slice %arg13[%dma_wait3A_75] : memref<6400xi32, #tpu.memory_space<vmem>> -> memref<640xi32, #tpu.memory_space<vmem>>
    %dma_wait3A_77 = arith.constant 1280 : i32
    %dma_wait3A_78 = tpu.memref_slice %arg11[%dma_wait3A_77] : memref<6400xi32, #tpu.memory_space<vmem>> -> memref<640xi32, #tpu.memory_space<vmem>>
    %dma_wait3A_79 = arith.constant 0 : i32
    %dma_wait3A_80 = tpu.memref_slice %arg20[%dma_wait3A_79] : memref<128xi32, #tpu.memory_space<vmem_shared>> -> memref<128xi32, #tpu.memory_space<vmem_shared>>
    tpu.wait_indirect_dma semaphore(%arg21 : memref<!tpu.dma_semaphore, #tpu.memory_space<semaphore_mem>>) src(%dma_wait3A_80 : memref<128xi32, #tpu.memory_space<vmem_shared>>) dst(%dma_wait3A_76 : memref<640xi32, #tpu.memory_space<vmem>>)
    %dma_wait3A_81 = arith.constant 1920 : i32
    %dma_wait3A_82 = tpu.memref_slice %arg13[%dma_wait3A_81] : memref<6400xi32, #tpu.memory_space<vmem>> -> memref<640xi32, #tpu.memory_space<vmem>>
    %dma_wait3A_83 = arith.constant 1920 : i32
    %dma_wait3A_84 = tpu.memref_slice %arg11[%dma_wait3A_83] : memref<6400xi32, #tpu.memory_space<vmem>> -> memref<640xi32, #tpu.memory_space<vmem>>
    %dma_wait3A_85 = arith.constant 0 : i32
    %dma_wait3A_86 = tpu.memref_slice %arg20[%dma_wait3A_85] : memref<128xi32, #tpu.memory_space<vmem_shared>> -> memref<128xi32, #tpu.memory_space<vmem_shared>>
    tpu.wait_indirect_dma semaphore(%arg21 : memref<!tpu.dma_semaphore, #tpu.memory_space<semaphore_mem>>) src(%dma_wait3A_86 : memref<128xi32, #tpu.memory_space<vmem_shared>>) dst(%dma_wait3A_82 : memref<640xi32, #tpu.memory_space<vmem>>)
    %dma_wait3A_87 = arith.constant 2560 : i32
    %dma_wait3A_88 = tpu.memref_slice %arg13[%dma_wait3A_87] : memref<6400xi32, #tpu.memory_space<vmem>> -> memref<640xi32, #tpu.memory_space<vmem>>
    %dma_wait3A_89 = arith.constant 2560 : i32
    %dma_wait3A_90 = tpu.memref_slice %arg11[%dma_wait3A_89] : memref<6400xi32, #tpu.memory_space<vmem>> -> memref<640xi32, #tpu.memory_space<vmem>>
    %dma_wait3A_91 = arith.constant 0 : i32
    %dma_wait3A_92 = tpu.memref_slice %arg20[%dma_wait3A_91] : memref<128xi32, #tpu.memory_space<vmem_shared>> -> memref<128xi32, #tpu.memory_space<vmem_shared>>
    tpu.wait_indirect_dma semaphore(%arg21 : memref<!tpu.dma_semaphore, #tpu.memory_space<semaphore_mem>>) src(%dma_wait3A_92 : memref<128xi32, #tpu.memory_space<vmem_shared>>) dst(%dma_wait3A_88 : memref<640xi32, #tpu.memory_space<vmem>>)
    %dma_wait3A_93 = arith.constant 3200 : i32
    %dma_wait3A_94 = tpu.memref_slice %arg13[%dma_wait3A_93] : memref<6400xi32, #tpu.memory_space<vmem>> -> memref<640xi32, #tpu.memory_space<vmem>>
    %dma_wait3A_95 = arith.constant 3200 : i32
    %dma_wait3A_96 = tpu.memref_slice %arg11[%dma_wait3A_95] : memref<6400xi32, #tpu.memory_space<vmem>> -> memref<640xi32, #tpu.memory_space<vmem>>
    %dma_wait3A_97 = arith.constant 0 : i32
    %dma_wait3A_98 = tpu.memref_slice %arg20[%dma_wait3A_97] : memref<128xi32, #tpu.memory_space<vmem_shared>> -> memref<128xi32, #tpu.memory_space<vmem_shared>>
    tpu.wait_indirect_dma semaphore(%arg21 : memref<!tpu.dma_semaphore, #tpu.memory_space<semaphore_mem>>) src(%dma_wait3A_98 : memref<128xi32, #tpu.memory_space<vmem_shared>>) dst(%dma_wait3A_94 : memref<640xi32, #tpu.memory_space<vmem>>)
    %dma_wait3A_99 = arith.constant 3840 : i32
    %dma_wait3A_100 = tpu.memref_slice %arg13[%dma_wait3A_99] : memref<6400xi32, #tpu.memory_space<vmem>> -> memref<640xi32, #tpu.memory_space<vmem>>
    %dma_wait3A_101 = arith.constant 3840 : i32
    %dma_wait3A_102 = tpu.memref_slice %arg11[%dma_wait3A_101] : memref<6400xi32, #tpu.memory_space<vmem>> -> memref<640xi32, #tpu.memory_space<vmem>>
    %dma_wait3A_103 = arith.constant 0 : i32
    %dma_wait3A_104 = tpu.memref_slice %arg20[%dma_wait3A_103] : memref<128xi32, #tpu.memory_space<vmem_shared>> -> memref<128xi32, #tpu.memory_space<vmem_shared>>
    tpu.wait_indirect_dma semaphore(%arg21 : memref<!tpu.dma_semaphore, #tpu.memory_space<semaphore_mem>>) src(%dma_wait3A_104 : memref<128xi32, #tpu.memory_space<vmem_shared>>) dst(%dma_wait3A_100 : memref<640xi32, #tpu.memory_space<vmem>>)
    %dma_wait3A_105 = arith.constant 4480 : i32
    %dma_wait3A_106 = tpu.memref_slice %arg13[%dma_wait3A_105] : memref<6400xi32, #tpu.memory_space<vmem>> -> memref<640xi32, #tpu.memory_space<vmem>>
    %dma_wait3A_107 = arith.constant 4480 : i32
    %dma_wait3A_108 = tpu.memref_slice %arg11[%dma_wait3A_107] : memref<6400xi32, #tpu.memory_space<vmem>> -> memref<640xi32, #tpu.memory_space<vmem>>
    %dma_wait3A_109 = arith.constant 0 : i32
    %dma_wait3A_110 = tpu.memref_slice %arg20[%dma_wait3A_109] : memref<128xi32, #tpu.memory_space<vmem_shared>> -> memref<128xi32, #tpu.memory_space<vmem_shared>>
    tpu.wait_indirect_dma semaphore(%arg21 : memref<!tpu.dma_semaphore, #tpu.memory_space<semaphore_mem>>) src(%dma_wait3A_110 : memref<128xi32, #tpu.memory_space<vmem_shared>>) dst(%dma_wait3A_106 : memref<640xi32, #tpu.memory_space<vmem>>)
    %dma_wait3A_111 = arith.constant 5120 : i32
    %dma_wait3A_112 = tpu.memref_slice %arg13[%dma_wait3A_111] : memref<6400xi32, #tpu.memory_space<vmem>> -> memref<640xi32, #tpu.memory_space<vmem>>
    %dma_wait3A_113 = arith.constant 5120 : i32
    %dma_wait3A_114 = tpu.memref_slice %arg11[%dma_wait3A_113] : memref<6400xi32, #tpu.memory_space<vmem>> -> memref<640xi32, #tpu.memory_space<vmem>>
    %dma_wait3A_115 = arith.constant 0 : i32
    %dma_wait3A_116 = tpu.memref_slice %arg20[%dma_wait3A_115] : memref<128xi32, #tpu.memory_space<vmem_shared>> -> memref<128xi32, #tpu.memory_space<vmem_shared>>
    tpu.wait_indirect_dma semaphore(%arg21 : memref<!tpu.dma_semaphore, #tpu.memory_space<semaphore_mem>>) src(%dma_wait3A_116 : memref<128xi32, #tpu.memory_space<vmem_shared>>) dst(%dma_wait3A_112 : memref<640xi32, #tpu.memory_space<vmem>>)
    %dma_wait3A_117 = arith.constant 5760 : i32
    %dma_wait3A_118 = tpu.memref_slice %arg13[%dma_wait3A_117] : memref<6400xi32, #tpu.memory_space<vmem>> -> memref<640xi32, #tpu.memory_space<vmem>>
    %dma_wait3A_119 = arith.constant 5760 : i32
    %dma_wait3A_120 = tpu.memref_slice %arg11[%dma_wait3A_119] : memref<6400xi32, #tpu.memory_space<vmem>> -> memref<640xi32, #tpu.memory_space<vmem>>
    %dma_wait3A_121 = arith.constant 0 : i32
    %dma_wait3A_122 = tpu.memref_slice %arg20[%dma_wait3A_121] : memref<128xi32, #tpu.memory_space<vmem_shared>> -> memref<128xi32, #tpu.memory_space<vmem_shared>>
    tpu.wait_indirect_dma semaphore(%arg21 : memref<!tpu.dma_semaphore, #tpu.memory_space<semaphore_mem>>) src(%dma_wait3A_122 : memref<128xi32, #tpu.memory_space<vmem_shared>>) dst(%dma_wait3A_118 : memref<640xi32, #tpu.memory_space<vmem>>)
    %get3A = arith.constant 0 : index
    %get3A_123 = tpu.vector_load %arg16[%get3A] {strides = array<i32>} : memref<16xf32, #tpu.memory_space<vmem>>, vector<16xf32>,
    %get3A_124 = vector.shape_cast %get3A_123 : vector<16xf32> to vector<16xf32>
    %get3A_125 = arith.constant 0 : index
    %get3A_126 = tpu.vector_load %arg17[%get3A_125] {strides = array<i32>} : memref<16xf32, #tpu.memory_space<vmem>>, vector<16xf32>,
    %get3A_127 = vector.shape_cast %get3A_126 : vector<16xf32> to vector<16xf32>
    %broadcast_in_dim3A = arith.constant -65536 : i32
    %broadcast_in_dim3A_128 = vector.broadcast %broadcast_in_dim3A : i32 to vector<16xi32>
    %broadcast_in_dim3A_129 = arith.constant 16 : i32
    %broadcast_in_dim3A_130 = vector.broadcast %broadcast_in_dim3A_129 : i32 to vector<16xi32>
    %scan3A = arith.constant 0 : i32
    %scan3A_131 = arith.constant 0 : i32
    %scan3A_132 = arith.constant 400 : i32
    %scan3A_133 = arith.addi %scan3A_131, %scan3A_132 : i32
    %scan3A_134 = arith.constant 1 : i32
    scf.for %scan3A_136 = %scan3A_131 to %scan3A_133 step %scan3A_134  : i32 {
      %mul3A_137 = arith.constant 16 : i32
      %mul3A_138 = arith.muli %scan3A_136, %mul3A_137 : i32
      %get3A_139 = arith.index_cast %mul3A_138 : i32 to index
      %get3A_140 = tpu.vector_load %arg13[%get3A_139] {strides = array<i32>} : memref<6400xi32, #tpu.memory_space<vmem>>, vector<16xi32>,
      %get3A_141 = vector.shape_cast %get3A_140 : vector<16xi32> to vector<16xi32>
      %shift_left3A = arith.shli %get3A_141, %broadcast_in_dim3A_130 : vector<16xi32>
      %bitcast_convert_type3A = tpu.bitcast %shift_left3A : vector<16xi32> -> vector<16xf32>
      %and3A = arith.andi %get3A_141, %broadcast_in_dim3A_128 : vector<16xi32>
      %bitcast_convert_type3A_142 = tpu.bitcast %and3A : vector<16xi32> -> vector<16xf32>
      %get3A_143 = arith.index_cast %mul3A_138 : i32 to index
      %get3A_144 = tpu.vector_load %arg12[%get3A_143] {strides = array<i32>} : memref<6400xi32, #tpu.memory_space<vmem>>, vector<16xi32>,
      %get3A_145 = vector.shape_cast %get3A_144 : vector<16xi32> to vector<16xi32>
      %convert_element_type3A_146 = arith.sitofp %get3A_145 : vector<16xi32> to vector<16xf32>
      %mul3A_147 = arith.mulf %convert_element_type3A_146, %get3A_124 : vector<16xf32>
      %add3A_148 = arith.addf %bitcast_convert_type3A, %mul3A_147 : vector<16xf32>
      %get3A_149 = arith.index_cast %mul3A_138 : i32 to index
      %get3A_150 = tpu.vector_load %arg14[%get3A_149] {strides = array<i32>} : memref<6400xf32, #tpu.memory_space<vmem>>, vector<16xf32>,
      %get3A_151 = vector.shape_cast %get3A_150 : vector<16xf32> to vector<16xf32>
      %add3A_152 = arith.addf %add3A_148, %get3A_151 : vector<16xf32>
      %neg3A = arith.constant 0.000000e+00 : f32
      %neg3A_153 = vector.broadcast %neg3A : f32 to vector<16xf32>
      %neg3A_154 = arith.subf %neg3A_153, %add3A_152 : vector<16xf32>
      %exp3A = math.exp %neg3A_154 : vector<16xf32>
      %add3A_155 = arith.constant 1.000000e+00 : f32
      %add3A_156 = vector.broadcast %add3A_155 : f32 to vector<16xf32>
      %add3A_157 = arith.addf %add3A_156, %exp3A : vector<16xf32>
      %div3A = arith.constant 1.000000e+00 : f32
      %div3A_158 = vector.broadcast %div3A : f32 to vector<16xf32>
      %div3A_159 = arith.divf %div3A_158, %add3A_157 : vector<16xf32>
      %swap3A = arith.index_cast %mul3A_138 : i32 to index
      %swap3A_160 = tpu.vector_load %arg18[%swap3A] {strides = array<i32>} : memref<6400xf32, #tpu.memory_space<vmem>>, vector<16xf32>,
      %swap3A_161 = vector.shape_cast %swap3A_160 : vector<16xf32> to vector<16xf32>
      %swap3A_162 = vector.shape_cast %div3A_159 : vector<16xf32> to vector<16xf32>
      tpu.vector_store %arg18[%swap3A], %swap3A_162 {strides = array<i32>} : memref<6400xf32, #tpu.memory_space<vmem>>, vector<16xf32>,
      %mul3A_163 = arith.mulf %convert_element_type3A_146, %get3A_127 : vector<16xf32>
      %add3A_164 = arith.addf %bitcast_convert_type3A_142, %mul3A_163 : vector<16xf32>
      %get3A_165 = arith.index_cast %mul3A_138 : i32 to index
      %get3A_166 = tpu.vector_load %arg15[%get3A_165] {strides = array<i32>} : memref<6400xf32, #tpu.memory_space<vmem>>, vector<16xf32>,
      %get3A_167 = vector.shape_cast %get3A_166 : vector<16xf32> to vector<16xf32>
      %add3A_168 = arith.addf %add3A_164, %get3A_167 : vector<16xf32>
      %swap3A_169 = arith.index_cast %mul3A_138 : i32 to index
      %swap3A_170 = tpu.vector_load %arg19[%swap3A_169] {strides = array<i32>} : memref<6400xf32, #tpu.memory_space<vmem>>, vector<16xf32>,
      %swap3A_171 = vector.shape_cast %swap3A_170 : vector<16xf32> to vector<16xf32>
      %swap3A_172 = vector.shape_cast %add3A_168 : vector<16xf32> to vector<16xf32>
      tpu.vector_store %arg19[%swap3A_169], %swap3A_172 {strides = array<i32>} : memref<6400xf32, #tpu.memory_space<vmem>>, vector<16xf32>,
    }
    %scan3A_135 = arith.constant 400 : i32
    "tpu.region"() ({
      %run_scoped3A = tpu.sem_alloc : memref<!tpu.dma_semaphore, #tpu.memory_space<semaphore_mem>>
      %dma_start3A_136 = tpu.memref_slice %arg9[%mul3A_2] : memref<204800xf32, #tpu.memory_space<hbm>> -> memref<6400xf32, #tpu.memory_space<hbm>>
      %dma_start3A_137 = tpu.memref_slice %arg9[%mul3A_2] : memref<204800xf32, #tpu.memory_space<hbm>> -> memref<6400xf32, #tpu.memory_space<hbm>>
      tpu.enqueue_dma source(%arg18 : memref<6400xf32, #tpu.memory_space<vmem>>) target(%dma_start3A_137 : memref<6400xf32, #tpu.memory_space<hbm>>) target_semaphore(%run_scoped3A : memref<!tpu.dma_semaphore, #tpu.memory_space<semaphore_mem>>)
      %dma_wait3A_138 = tpu.memref_slice %arg9[%mul3A_2] : memref<204800xf32, #tpu.memory_space<hbm>> -> memref<6400xf32, #tpu.memory_space<hbm>>
      %dma_wait3A_139 = tpu.memref_slice %arg9[%mul3A_2] : memref<204800xf32, #tpu.memory_space<hbm>> -> memref<6400xf32, #tpu.memory_space<hbm>>
      tpu.wait_dma2 semaphore(%run_scoped3A : memref<!tpu.dma_semaphore, #tpu.memory_space<semaphore_mem>>) src(%arg18 : memref<6400xf32, #tpu.memory_space<vmem>>) dst(%dma_wait3A_139 : memref<6400xf32, #tpu.memory_space<hbm>>)
      tpu.yield
    }) : () -> ()
    "tpu.region"() ({
      %run_scoped3A = tpu.sem_alloc : memref<!tpu.dma_semaphore, #tpu.memory_space<semaphore_mem>>
      %dma_start3A_136 = tpu.memref_slice %arg10[%mul3A_2] : memref<204800xf32, #tpu.memory_space<hbm>> -> memref<6400xf32, #tpu.memory_space<hbm>>
      %dma_start3A_137 = tpu.memref_slice %arg10[%mul3A_2] : memref<204800xf32, #tpu.memory_space<hbm>> -> memref<6400xf32, #tpu.memory_space<hbm>>
      tpu.enqueue_dma source(%arg19 : memref<6400xf32, #tpu.memory_space<vmem>>) target(%dma_start3A_137 : memref<6400xf32, #tpu.memory_space<hbm>>) target_semaphore(%run_scoped3A : memref<!tpu.dma_semaphore, #tpu.memory_space<semaphore_mem>>)
      %dma_wait3A_138 = tpu.memref_slice %arg10[%mul3A_2] : memref<204800xf32, #tpu.memory_space<hbm>> -> memref<6400xf32, #tpu.memory_space<hbm>>
      %dma_wait3A_139 = tpu.memref_slice %arg10[%mul3A_2] : memref<204800xf32, #tpu.memory_space<hbm>> -> memref<6400xf32, #tpu.memory_space<hbm>>
      tpu.wait_dma2 semaphore(%run_scoped3A : memref<!tpu.dma_semaphore, #tpu.memory_space<semaphore_mem>>) src(%arg19 : memref<6400xf32, #tpu.memory_space<vmem>>) dst(%dma_wait3A_139 : memref<6400xf32, #tpu.memory_space<hbm>>)
      tpu.yield
    }) : () -> ()
    return
  }
}

module attributes {stable_mosaic.version = 14 : i64} {
  func.func @_small_body(%arg0: memref<256x32xf32, #tpu.memory_space<vmem>>, %arg1: memref<256x32xf32, #tpu.memory_space<vmem>>, %arg2: memref<256x32xf32, #tpu.memory_space<vmem>>, %arg3: memref<256x1xf32, #tpu.memory_space<vmem>>, %arg4: memref<256x1xf32, #tpu.memory_space<vmem>>, %arg5: memref<256x1xf32, #tpu.memory_space<vmem>>, %arg6: memref<256x1xf32, #tpu.memory_space<vmem>>, %arg7: memref<256x1xi32, #tpu.memory_space<vmem>>) attributes {dimension_semantics = [], scalar_prefetch = 0 : i64, scratch_operands = 0 : i64, tpu.core_type = #tpu.core_type<tc>} {
    %get3A = arith.constant 0 : index
    %get3A_0 = arith.constant 0 : index
    %get3A_1 = vector.load %arg0[%get3A, %get3A_0] : memref<256x32xf32, #tpu.memory_space<vmem>>, vector<256x32xf32>
    %get3A_2 = arith.constant 0 : index
    %get3A_3 = arith.constant 0 : index
    %get3A_4 = vector.load %arg1[%get3A_2, %get3A_3] : memref<256x32xf32, #tpu.memory_space<vmem>>, vector<256x32xf32>
    %mul3A = arith.mulf %get3A_1, %get3A_4 : vector<256x32xf32>
    %reduce_sum3A = arith.constant dense<0.000000e+00> : vector<256xf32>
    %reduce_sum3A_5 = vector.multi_reduction <add>, %mul3A, %reduce_sum3A [1] : vector<256x32xf32> to vector<256xf32>
    %broadcast_in_dim3A = vector.shape_cast %reduce_sum3A_5 : vector<256xf32> to vector<256x1xf32>
    %get3A_6 = arith.constant 0 : index
    %get3A_7 = arith.constant 0 : index
    %get3A_8 = vector.load %arg3[%get3A_6, %get3A_7] : memref<256x1xf32, #tpu.memory_space<vmem>>, vector<256x1xf32>
    %add3A = arith.addf %broadcast_in_dim3A, %get3A_8 : vector<256x1xf32>
    %get3A_9 = arith.constant 0 : index
    %get3A_10 = arith.constant 0 : index
    %get3A_11 = vector.load %arg2[%get3A_9, %get3A_10] : memref<256x32xf32, #tpu.memory_space<vmem>>, vector<256x32xf32>
    %mul3A_12 = arith.mulf %get3A_1, %get3A_11 : vector<256x32xf32>
    %reduce_sum3A_13 = arith.constant dense<0.000000e+00> : vector<256xf32>
    %reduce_sum3A_14 = vector.multi_reduction <add>, %mul3A_12, %reduce_sum3A_13 [1] : vector<256x32xf32> to vector<256xf32>
    %broadcast_in_dim3A_15 = vector.shape_cast %reduce_sum3A_14 : vector<256xf32> to vector<256x1xf32>
    %get3A_16 = arith.constant 0 : index
    %get3A_17 = arith.constant 0 : index
    %get3A_18 = vector.load %arg4[%get3A_16, %get3A_17] : memref<256x1xf32, #tpu.memory_space<vmem>>, vector<256x1xf32>
    %add3A_19 = arith.addf %broadcast_in_dim3A_15, %get3A_18 : vector<256x1xf32>
    %swap3A = arith.constant 0 : index
    %swap3A_20 = arith.constant 0 : index
    %swap3A_21 = vector.load %arg5[%swap3A, %swap3A_20] : memref<256x1xf32, #tpu.memory_space<vmem>>, vector<256x1xf32>
    tpu.vector_store %arg5[%swap3A, %swap3A_20], %add3A {strides = array<i32>} : memref<256x1xf32, #tpu.memory_space<vmem>>, vector<256x1xf32>,
    %swap3A_22 = arith.constant 0 : index
    %swap3A_23 = arith.constant 0 : index
    %swap3A_24 = vector.load %arg6[%swap3A_22, %swap3A_23] : memref<256x1xf32, #tpu.memory_space<vmem>>, vector<256x1xf32>
    tpu.vector_store %arg6[%swap3A_22, %swap3A_23], %add3A_19 {strides = array<i32>} : memref<256x1xf32, #tpu.memory_space<vmem>>, vector<256x1xf32>,
    %bitcast_convert_type3A = tpu.bitcast %add3A : vector<256x1xf32> -> vector<256x1xi32>
    %add3A_25 = arith.constant 32767 : i32
    %add3A_26 = vector.broadcast %add3A_25 : i32 to vector<256x1xi32>
    %add3A_27 = arith.addi %bitcast_convert_type3A, %add3A_26 : vector<256x1xi32>
    %shift_right_logical3A = arith.constant 16 : i32
    %shift_right_logical3A_28 = vector.broadcast %shift_right_logical3A : i32 to vector<256x1xi32>
    %shift_right_logical3A_29 = arith.shrui %bitcast_convert_type3A, %shift_right_logical3A_28 : vector<256x1xi32>
    %and3A = arith.constant 1 : i32
    %and3A_30 = vector.broadcast %and3A : i32 to vector<256x1xi32>
    %and3A_31 = arith.andi %shift_right_logical3A_29, %and3A_30 : vector<256x1xi32>
    %add3A_32 = arith.addi %add3A_27, %and3A_31 : vector<256x1xi32>
    %shift_right_logical3A_33 = arith.constant 16 : i32
    %shift_right_logical3A_34 = vector.broadcast %shift_right_logical3A_33 : i32 to vector<256x1xi32>
    %shift_right_logical3A_35 = arith.shrui %add3A_32, %shift_right_logical3A_34 : vector<256x1xi32>
    %bitcast_convert_type3A_36 = tpu.bitcast %add3A_19 : vector<256x1xf32> -> vector<256x1xi32>
    %add3A_37 = arith.constant 32767 : i32
    %add3A_38 = vector.broadcast %add3A_37 : i32 to vector<256x1xi32>
    %add3A_39 = arith.addi %bitcast_convert_type3A_36, %add3A_38 : vector<256x1xi32>
    %shift_right_logical3A_40 = arith.constant 16 : i32
    %shift_right_logical3A_41 = vector.broadcast %shift_right_logical3A_40 : i32 to vector<256x1xi32>
    %shift_right_logical3A_42 = arith.shrui %bitcast_convert_type3A_36, %shift_right_logical3A_41 : vector<256x1xi32>
    %and3A_43 = arith.constant 1 : i32
    %and3A_44 = vector.broadcast %and3A_43 : i32 to vector<256x1xi32>
    %and3A_45 = arith.andi %shift_right_logical3A_42, %and3A_44 : vector<256x1xi32>
    %add3A_46 = arith.addi %add3A_39, %and3A_45 : vector<256x1xi32>
    %shift_right_logical3A_47 = arith.constant 16 : i32
    %shift_right_logical3A_48 = vector.broadcast %shift_right_logical3A_47 : i32 to vector<256x1xi32>
    %shift_right_logical3A_49 = arith.shrui %add3A_46, %shift_right_logical3A_48 : vector<256x1xi32>
    %shift_left3A = arith.constant 16 : i32
    %shift_left3A_50 = vector.broadcast %shift_left3A : i32 to vector<256x1xi32>
    %shift_left3A_51 = arith.shli %shift_right_logical3A_49, %shift_left3A_50 : vector<256x1xi32>
    %or3A = arith.ori %shift_right_logical3A_35, %shift_left3A_51 : vector<256x1xi32>
    %swap3A_52 = arith.constant 0 : index
    %swap3A_53 = arith.constant 0 : index
    %swap3A_54 = vector.load %arg7[%swap3A_52, %swap3A_53] : memref<256x1xi32, #tpu.memory_space<vmem>>, vector<256x1xi32>
    tpu.vector_store %arg7[%swap3A_52, %swap3A_53], %or3A {strides = array<i32>} : memref<256x1xi32, #tpu.memory_space<vmem>>, vector<256x1xi32>,
    return
  }
}

module attributes {stable_mosaic.version = 14 : i64} {
  func.func @_pack_body(%arg0: i32, %arg1: memref<32x31744xf32, #tpu.memory_space<vmem>>, %arg2: memref<32x31744xf32, #tpu.memory_space<vmem>>, %arg3: memref<32x4096xf32, #tpu.memory_space<vmem>>, %arg4: memref<32x1xf32, #tpu.memory_space<vmem>>, %arg5: memref<32x1xf32, #tpu.memory_space<vmem>>, %arg6: memref<31744xi32, #tpu.memory_space<vmem>>, %arg7: memref<4096xf32, #tpu.memory_space<vmem>>) attributes {dimension_semantics = [#tpu.dimension_semantics<arbitrary>], iteration_bounds = array<i64: 16>, scalar_prefetch = 0 : i64, scratch_operands = 0 : i64, tpu.core_type = #tpu.core_type<tc>, window_params = [{transform_indices = @transform_0, window_bounds = array<i64: 32, 31744>}, {transform_indices = @transform_1, window_bounds = array<i64: 32, 31744>}, {transform_indices = @transform_2, window_bounds = array<i64: 32, 4096>}, {pipeline_mode = #tpu.pipeline_mode<synchronous>, transform_indices = @transform_3, window_bounds = array<i64: 32, 1>}, {pipeline_mode = #tpu.pipeline_mode<synchronous>, transform_indices = @transform_4, window_bounds = array<i64: 32, 1>}, {transform_indices = @transform_5, window_bounds = array<i64: 31744>}, {transform_indices = @transform_6, window_bounds = array<i64: 4096>}]} {
    %get3A = arith.constant 0 : index
    %get3A_0 = arith.constant 0 : index
    %get3A_1 = vector.load %arg1[%get3A, %get3A_0] : memref<32x31744xf32, #tpu.memory_space<vmem>>, vector<32x31744xf32>
    %get3A_2 = arith.constant 0 : index
    %get3A_3 = arith.constant 0 : index
    %get3A_4 = vector.load %arg4[%get3A_2, %get3A_3] : memref<32x1xf32, #tpu.memory_space<vmem>>, vector<32x1xf32>
    %mul3A = vector.broadcast %get3A_4 : vector<32x1xf32> to vector<32x31744xf32>
    %mul3A_5 = arith.mulf %get3A_1, %mul3A : vector<32x31744xf32>
    %reduce_sum3A = arith.constant dense<0.000000e+00> : vector<31744xf32>
    %reduce_sum3A_6 = vector.multi_reduction <add>, %mul3A_5, %reduce_sum3A [0] : vector<32x31744xf32> to vector<31744xf32>
    %get3A_7 = arith.constant 0 : index
    %get3A_8 = arith.constant 0 : index
    %get3A_9 = vector.load %arg2[%get3A_7, %get3A_8] : memref<32x31744xf32, #tpu.memory_space<vmem>>, vector<32x31744xf32>
    %get3A_10 = arith.constant 0 : index
    %get3A_11 = arith.constant 0 : index
    %get3A_12 = vector.load %arg4[%get3A_10, %get3A_11] : memref<32x1xf32, #tpu.memory_space<vmem>>, vector<32x1xf32>
    %mul3A_13 = vector.broadcast %get3A_12 : vector<32x1xf32> to vector<32x31744xf32>
    %mul3A_14 = arith.mulf %get3A_9, %mul3A_13 : vector<32x31744xf32>
    %reduce_sum3A_15 = arith.constant dense<0.000000e+00> : vector<31744xf32>
    %reduce_sum3A_16 = vector.multi_reduction <add>, %mul3A_14, %reduce_sum3A_15 [0] : vector<32x31744xf32> to vector<31744xf32>
    %bitcast_convert_type3A = tpu.bitcast %reduce_sum3A_6 : vector<31744xf32> -> vector<31744xi32>
    %add3A = arith.constant 32767 : i32
    %add3A_17 = vector.broadcast %add3A : i32 to vector<31744xi32>
    %add3A_18 = arith.addi %bitcast_convert_type3A, %add3A_17 : vector<31744xi32>
    %shift_right_logical3A = arith.constant 16 : i32
    %shift_right_logical3A_19 = vector.broadcast %shift_right_logical3A : i32 to vector<31744xi32>
    %shift_right_logical3A_20 = arith.shrui %bitcast_convert_type3A, %shift_right_logical3A_19 : vector<31744xi32>
    %and3A = arith.constant 1 : i32
    %and3A_21 = vector.broadcast %and3A : i32 to vector<31744xi32>
    %and3A_22 = arith.andi %shift_right_logical3A_20, %and3A_21 : vector<31744xi32>
    %add3A_23 = arith.addi %add3A_18, %and3A_22 : vector<31744xi32>
    %shift_right_logical3A_24 = arith.constant 16 : i32
    %shift_right_logical3A_25 = vector.broadcast %shift_right_logical3A_24 : i32 to vector<31744xi32>
    %shift_right_logical3A_26 = arith.shrui %add3A_23, %shift_right_logical3A_25 : vector<31744xi32>
    %bitcast_convert_type3A_27 = tpu.bitcast %reduce_sum3A_16 : vector<31744xf32> -> vector<31744xi32>
    %add3A_28 = arith.constant 32767 : i32
    %add3A_29 = vector.broadcast %add3A_28 : i32 to vector<31744xi32>
    %add3A_30 = arith.addi %bitcast_convert_type3A_27, %add3A_29 : vector<31744xi32>
    %shift_right_logical3A_31 = arith.constant 16 : i32
    %shift_right_logical3A_32 = vector.broadcast %shift_right_logical3A_31 : i32 to vector<31744xi32>
    %shift_right_logical3A_33 = arith.shrui %bitcast_convert_type3A_27, %shift_right_logical3A_32 : vector<31744xi32>
    %and3A_34 = arith.constant 1 : i32
    %and3A_35 = vector.broadcast %and3A_34 : i32 to vector<31744xi32>
    %and3A_36 = arith.andi %shift_right_logical3A_33, %and3A_35 : vector<31744xi32>
    %add3A_37 = arith.addi %add3A_30, %and3A_36 : vector<31744xi32>
    %shift_right_logical3A_38 = arith.constant 16 : i32
    %shift_right_logical3A_39 = vector.broadcast %shift_right_logical3A_38 : i32 to vector<31744xi32>
    %shift_right_logical3A_40 = arith.shrui %add3A_37, %shift_right_logical3A_39 : vector<31744xi32>
    %shift_left3A = arith.constant 16 : i32
    %shift_left3A_41 = vector.broadcast %shift_left3A : i32 to vector<31744xi32>
    %shift_left3A_42 = arith.shli %shift_right_logical3A_40, %shift_left3A_41 : vector<31744xi32>
    %or3A = arith.ori %shift_right_logical3A_26, %shift_left3A_42 : vector<31744xi32>
    %swap3A = arith.constant 0 : index
    %swap3A_43 = vector.load %arg6[%swap3A] : memref<31744xi32, #tpu.memory_space<vmem>>, vector<31744xi32>
    tpu.vector_store %arg6[%swap3A], %or3A {strides = array<i32>} : memref<31744xi32, #tpu.memory_space<vmem>>, vector<31744xi32>,
    %get3A_44 = arith.constant 0 : index
    %get3A_45 = arith.constant 0 : index
    %get3A_46 = vector.load %arg3[%get3A_44, %get3A_45] : memref<32x4096xf32, #tpu.memory_space<vmem>>, vector<32x4096xf32>
    %get3A_47 = arith.constant 0 : index
    %get3A_48 = arith.constant 0 : index
    %get3A_49 = vector.load %arg5[%get3A_47, %get3A_48] : memref<32x1xf32, #tpu.memory_space<vmem>>, vector<32x1xf32>
    %mul3A_50 = vector.broadcast %get3A_49 : vector<32x1xf32> to vector<32x4096xf32>
    %mul3A_51 = arith.mulf %get3A_46, %mul3A_50 : vector<32x4096xf32>
    %reduce_sum3A_52 = arith.constant dense<0.000000e+00> : vector<4096xf32>
    %reduce_sum3A_53 = vector.multi_reduction <add>, %mul3A_51, %reduce_sum3A_52 [0] : vector<32x4096xf32> to vector<4096xf32>
    %swap3A_54 = arith.constant 0 : index
    %swap3A_55 = vector.load %arg7[%swap3A_54] : memref<4096xf32, #tpu.memory_space<vmem>>, vector<4096xf32>
    tpu.vector_store %arg7[%swap3A_54], %reduce_sum3A_53 {strides = array<i32>} : memref<4096xf32, #tpu.memory_space<vmem>>, vector<4096xf32>,
    return
  }
  func.func @transform_0(%arg0: i32) -> (i32, i32) {
    %c0_i32 = arith.constant 0 : i32
    %c0_i32_0 = arith.constant 0 : i32
    return %c0_i32, %arg0 : i32, i32
  }
  func.func @transform_1(%arg0: i32) -> (i32, i32) {
    %add3A = arith.constant 16 : i32
    %add3A_0 = arith.addi %arg0, %add3A : i32
    %c0_i32 = arith.constant 0 : i32
    %c0_i32_1 = arith.constant 0 : i32
    return %c0_i32, %add3A_0 : i32, i32
  }
  func.func @transform_2(%arg0: i32) -> (i32, i32) {
    %min3A = arith.constant 24 : i32
    %min3A_0 = arith.minsi %arg0, %min3A : i32
    %c0_i32 = arith.constant 0 : i32
    %c0_i32_1 = arith.constant 0 : i32
    return %c0_i32, %min3A_0 : i32, i32
  }
  func.func @transform_3(%arg0: i32) -> (i32, i32) {
    %c0_i32 = arith.constant 0 : i32
    %c0_i32_0 = arith.constant 0 : i32
    %c0_i32_1 = arith.constant 0 : i32
    return %c0_i32, %c0_i32_0 : i32, i32
  }
  func.func @transform_4(%arg0: i32) -> (i32, i32) {
    %c0_i32 = arith.constant 0 : i32
    %c0_i32_0 = arith.constant 0 : i32
    %c0_i32_1 = arith.constant 0 : i32
    return %c0_i32, %c0_i32_0 : i32, i32
  }
  func.func @transform_5(%arg0: i32) -> i32 {
    %c0_i32 = arith.constant 0 : i32
    return %arg0 : i32
  }
  func.func @transform_6(%arg0: i32) -> i32 {
    %min3A = arith.constant 24 : i32
    %min3A_0 = arith.minsi %arg0, %min3A : i32
    %c0_i32 = arith.constant 0 : i32
    return %min3A_0 : i32
  }
}

</mosaic_0001>

<sc_bundles>
// kernel: kernel.6.cloned.1.call-start
scs
__scs_entry_jumppad:
0x0: {  	(pc) =	sbr.rel $0x88, $3  }
0x1: {  	(tag) =	ssettag $0x0;
	lr =	simm.s32 $0x1  }
0x2: {  	[smem:$0x3F94] =	sst lr;
	_ =	strace $0xD0000000  }
0x3: {  	_ = 	snop  }
0x4: {  	_ = 	snop  }
0x5: {  	_ = 	snop  }
0x6: {  	_ = 	snop  }
0x7: {  	_ = 	snop  }
__scs_overlays_trampoline_lowered:
0x8: {  	[smem:$0x3FA3] =	sst s0  }
0x9: {  	[smem:$0x3FA4] =	sst s1  }
0xa: {  	[smem:$0x3FA5] =	sst s2  }
0xb: {  	[smem:$0x3FA6] =	sst s3  }
0xc: {  	[smem:$0x3FA7] =	sst s4  }
0xd: {  	[smem:$0x3FA8] =	sst s5  }
0xe: {  	[smem:$0x3FA9] =	sst s6  }
0xf: {  	[smem:$0x3FAA] =	sst s7  }
0x10: {  	[smem:$0x3FAB] =	sst s8  }
0x11: {  	[smem:$0x3FAC] =	sst s9;
	s0 =	simm.s32 @!p0 $0x0  }
0x12: {  	s1 =	sld [smem:$0x3F92];
	s0 =	simm.s32 @p0 $0x1  }
0x13: {  	[smem:$0x3FAD] =	sst s0;
	s0 =	simm.s32 @!p1 $0x0  }
0x14: {  	s2 =	sld [smem:$0x3F91];
	s0 =	simm.s32 @p1 $0x1  }
0x15: {  	[smem:$0x3FAE] =	sst s0;
	s0 =	simm.s32 @!p2 $0x0  }
0x16: {  	s3 =	sld [smem:$0x3FDB];
	s0 =	simm.s32 @p2 $0x1  }
0x17: {  	s4 =	simm.s32 $0x1BF5;
	[smem:$0x3FB0] =	sst s0  }
0x18: {  	s0 =	sld [smem:$0x3F93];
	_ =	swait.ge [sflag:s4], $0x0  }
0x19: {  	s7 =	sld [smem:$0x3F94]  }
0x1a: {  	s8 =	sadd.s32 $0xFFFFE003, lr  }
0x1b: {  	s9 =	sadd.s32 $0xFFFFFEF7, lr;
	s5 =	simm.s32 $0xFFFFFFFF;
	p2 =	slt.u32 s8, $0xFFFFF086  }
0x1c: {  	p1 =	slt.u32 s9, $0xF7A;
	s5 =	simm.s32 @!p2 $0x0  }
0x1d: {  	s5 =	simm.s32 @p1 $0x1;
	p0 =	seq.s32 s7, s2  }
0x1e: {  	s7 =	smul.u32 @!p0 $0xF7A, s2;
	p2 =	seq.s32 @!p0 s5, $0x0  }
0x1f: {  	s9 =	smul.u32 $0xF7A, s1;
	s8 =	simm.s32 @!p0 $0x1BF5;
	p2 =	por !p2, p0  }
0x20: {  	[sflag:s8] =	ssyncset.s32 @!p0 $0xFFFFF086;
	s6 =	sadd.s32 @!p0 s3, s7;
	s7 =	simm.s32 @!p0 $0x108  }
0x21: {  	s3 =	sadd.s32 s3, s9;
	s6 =	sadd.s32 @!p0 $0x88, s6;
	s7 =	simm.s32 @p2 $0x1082  }
0x22: {  	[simem:s7], [sflag:s8] =	dma.local @!p0 [hbm:s6], $0xF7A  }
0x23: {  	s9 =	sor.u32 $0xD0000000, s2;
	s6 =	simm.s32 $0x108;
	_ =	swait.ge @!p0 [sflag:s8], $0x0  }
0x24: {  	s3 =	sadd.s32 $0x88, s3;
	s6 =	simm.s32 @!p1 $0x1082;
	[sflag:s4] =	ssyncset.s32 $0xFFFFF086  }
0x25: {  	[simem:s6], [sflag:s4] =	dma.local [hbm:s3], $0xF7A  }
0x26: {  	[smem:$0x3F94] =	sst s1;
	(tag) =	ssettag s2;
	_ =	strace s9  }
0x27: {  	s1 =	sld [smem:$0x3FA4]  }
0x28: {  	s2 =	sld [smem:$0x3FA5]  }
0x29: {  	s4 =	sld [smem:$0x3FA7]  }
0x2a: {  	p0 =	seq.s32 s5, $0x0;
	s5 =	sld [smem:$0x3FA8]  }
0x2b: {  	s6 =	sld [smem:$0x3FA9]  }
0x2c: {  	s7 =	sld [smem:$0x3FAA]  }
0x2d: {  	s3 =	simm.s32 $0x108;
	s8 =	sld [smem:$0x3FAB]  }
0x2e: {  	s3 =	simm.s32 @!p0 $0x1082;
	s9 =	sld [smem:$0x3FAC]  }
0x2f: {  	lr =	sadd.s32 s0, s3;
	s0 =	sld [smem:$0x3FA3]  }
0x30: {  	s3 =	sld [smem:$0x3FA6]  }
0x31: {  	[smem:$0x3FAF] =	sst s10  }
0x32: {  	s10 =	sld [smem:$0x3FAD];
	_ =	sdelay $0x3  }
0x33: {  	p0 =	seq.s32 s10, $0x1;
	s10 =	sld [smem:$0x3FAF];
	_ =	sdelay $0x3  }
0x34: {  	[smem:$0x3FAF] =	sst s10  }
0x35: {  	s10 =	sld [smem:$0x3FAE];
	_ =	sdelay $0x3  }
0x36: {  	p1 =	seq.s32 s10, $0x1;
	s10 =	sld [smem:$0x3FAF];
	_ =	sdelay $0x3  }
0x37: {  	[smem:$0x3FAF] =	sst s10  }
0x38: {  	s10 =	sld [smem:$0x3FB0]  }
0x39: {  	_ = 	snop;
	(pc) =	sbr.ind lr, $3  }
0x3a: {  	_ = 	snop  }
0x3b: {  	_ = 	snop  }
0x3c: {  	p2 =	seq.s32 s10, $0x1;
	s10 =	sld [smem:$0x3FAF]  }
0x3d: {  	_ =	shalt  }
0x3e: {  	_ =	shalt  }
0x3f: {  	_ =	shalt  }
0x40: {  	_ =	shalt  }
0x41: {  	_ =	shalt  }
0x42: {  	_ =	shalt  }
0x43: {  	_ =	shalt  }
0x44: {  	_ =	shalt  }
0x45: {  	_ =	shalt  }
0x46: {  	_ =	shalt  }
0x47: {  	_ =	shalt  }
0x48: {  	_ =	shalt  }
0x49: {  	_ =	shalt  }
0x4a: {  	_ =	shalt  }
0x4b: {  	_ =	shalt  }
0x4c: {  	_ =	shalt  }
0x4d: {  	_ =	shalt  }
0x4e: {  	_ =	shalt  }
0x4f: {  	_ =	shalt  }
0x50: {  	_ =	shalt  }
0x51: {  	_ =	shalt  }
0x52: {  	_ =	shalt  }
0x53: {  	_ =	shalt  }
0x54: {  	_ =	shalt  }
0x55: {  	_ =	shalt  }
0x56: {  	_ =	shalt  }
0x57: {  	_ =	shalt  }
0x58: {  	_ =	shalt  }
0x59: {  	_ =	shalt  }
0x5a: {  	_ =	shalt  }
0x5b: {  	_ =	shalt  }
0x5c: {  	_ =	shalt  }
0x5d: {  	_ =	shalt  }
0x5e: {  	_ =	shalt  }
0x5f: {  	_ =	shalt  }
0x60: {  	_ =	shalt  }
0x61: {  	_ =	shalt  }
0x62: {  	_ =	shalt  }
0x63: {  	_ =	shalt  }
0x64: {  	_ =	shalt  }
0x65: {  	_ =	shalt  }
0x66: {  	_ =	shalt  }
0x67: {  	_ =	shalt  }
0x68: {  	_ =	shalt  }
0x69: {  	_ =	shalt  }
0x6a: {  	_ =	shalt  }
0x6b: {  	_ =	shalt  }
0x6c: {  	_ =	shalt  }
0x6d: {  	_ =	shalt  }
0x6e: {  	_ =	shalt  }
0x6f: {  	_ =	shalt  }
0x70: {  	_ =	shalt  }
0x71: {  	_ =	shalt  }
0x72: {  	_ =	shalt  }
0x73: {  	_ =	shalt  }
0x74: {  	_ =	shalt  }
0x75: {  	_ =	shalt  }
0x76: {  	_ =	shalt  }
0x77: {  	_ =	shalt  }
0x78: {  	_ =	shalt  }
0x79: {  	_ =	shalt  }
0x7a: {  	_ =	shalt  }
0x7b: {  	_ =	shalt  }
0x7c: {  	_ =	shalt  }
0x7d: {  	_ =	shalt  }
0x7e: {  	_ =	shalt  }
0x7f: {  	_ =	shalt  }
0x80: {  	_ =	shalt  }
0x81: {  	_ =	shalt  }
0x82: {  	_ =	shalt  }
0x83: {  	_ =	shalt  }
0x84: {  	_ =	shalt  }
0x85: {  	_ =	shalt  }
0x86: {  	_ =	shalt  }
0x87: {  	_ =	shalt  }
.Lfunc_end0:
.L_simem_size_0:
called_computation_lowered:
.L_overlay_start_0:
0x88: {  	s2 =	sld [smem:$0x3FD9]  }
0x89: {  	s3 =	sld [smem:$0x3FFE];
	_ =	sdelay $0x1  }
0x8a: {  	s1 =	srdreg.scid  }
0x8b: {  	s0 =	sand.u32 $0x1, s1  }
0x8c: {  	s16 =	sshll.u32 s0, $0xA;
	s2 =	sadd.s32 s3, s2  }
0x8d: {  	s2 =	sadd.s32 s2, s16  }
0x8e: {  	[smem:$0x3FBB] =	sst s2  }
0x8f: {  	_ = 	snop  }
0x90: {  	(tm) =	ssettm $0x1  }
0x91: {  	s17 =	sld [smem:$0x3FFB];
	_ =	sdelay $0x3  }
0x92: {  	_ =	strace s17  }
0x93: {  	s2 =	sld [smem:$0x3FFC];
	_ =	sdelay $0x3  }
0x94: {  	_ =	strace s2  }
0x95: {  	s2 =	sld [smem:$0x3FFD];
	_ =	sdelay $0x3  }
0x96: {  	_ =	strace s2  }
0x97: {  	_ =	strace $0x8FFFFFFF  }
0x98: {  	s18 =	sld [smem:$0x3FDB];
	_ =	sdelay $0x1  }
0x99: {  	s19 =	simm.s32 $_scs_section_size  }
0x9a: {  	s4 =	simm.s32 $_size__tile_overlayer_lowered;
	s5 =	simm.s32 $_tile_overlayer_lowered  }
0x9b: {  	s22 =	simm.s32 $0x1BFF;
	s21 =	sshll.u32 s5, $0x1;
	s2 =	sadd.s32 s19, s18  }
0x9c: {  	s6 =	simm.s32 $0x0;
	s20 =	sshll.u32 s4, $0x1;
	s4 =	sadd.s32 s21, s2  }
0x9d: {  	[timem:s6], [sflag:s22] =	dma.local [hbm:s4], s20  }
0x9e: {  	_ =	swait.ge [sflag:s22], s20  }
0x9f: {  	s3 =	ssub.s32 $0x0, s20;
	[sflag:s22] =	ssyncset.done $0x0  }
0xa0: {  	[sflag:s22] =	ssyncadd.s32 s3;
	_ =	sdelay $0x1  }
0xa1: {  	s23 =	simm.s32 $0x1B8B  }
0xa2: {  	_ =	swait.ge [sflag:s23], $0x1  }
0xa3: {  	[sflag:s23] =	ssyncset.done $0x0  }
0xa4: {  	s25 =	simm.s32 $0x1B8E;
	s24 =	sld [smem:$0x3FFE];
	[sflag:s23] =	ssyncadd.s32 $0xFFFFFFFF  }
0xa5: {  	s26 =	simm.s32 $execute0_lowered;
	[smem:$0x3FD2] =	sst s25  }
0xa6: {  	s4 =	sshll.u32 s26, $0x1;
	_ =	strace $0x80000046;
	[dreg:$0x1] =	wrdreg $0xFFFFFFFF  }
0xa7: {  	s28 =	simm.s32 $_size_execute0_lowered;
	s2 =	sadd.s32 s2, s4;
	[dreg:$0x0] =	wrdreg $0x0  }
0xa8: {  	s4 =	sshll.u32 s28, $0x1;
	[dreg:$0x2] =	wrdreg s2  }
0xa9: {  	[dreg:$0x3] =	wrdreg s4  }
0xaa: {  	[dreg:$0x4] =	wrdreg $0xC0  }
0xab: {  	_ =	task [dreg:s6], $0x5FFFF  }
0xac: {  	[dreg:$0x1] =	wrdreg $0xFFFFFFFF  }
0xad: {  	[dreg:$0x0] =	wrdreg $0x60  }
0xae: {  	[dreg:$0x2] =	wrdreg s24  }
0xaf: {  	[dreg:$0x3] =	wrdreg $0xB0000  }
0xb0: {  	[dreg:$0x4] =	wrdreg $0x9  }
0xb1: {  	_ =	task.clear_ibuf [dreg:s6], $0x5FFFF;
	_ =	strace $0x90000046  }
0xb2: {  	s29 =	simm.s32 $0x9;
	_ =	strace $0x80000048  }
0xb3: {  	_ =	swait.ge [sflag:s29], $0x1  }
0xb4: {  	[sflag:s29] =	ssyncadd.s32 $0xFFFFFFFF  }
0xb5: {  	_ =	strace $0x90000048  }
0xb6: {  	_ =	sfence  }
0xb7: {  	s30 =	sld [smem:$0x0];
	_ =	sdelay $0x2  }
0xb8: {  	s31 =	sshll.u32 s1, $0xD;
	s1 =	sshrl.u32 s1, $0x2  }
0xb9: {  	s3 =	sand.u32 $0x4000, s31;
	s1 =	sadd.s32 s1, s30  }
0xba: {  	s0 =	sor.u32 s3, s0;
	s1 =	sshll.u32 s1, $0x11  }
0xbb: {  	s0 =	sor.u32 s1, s0  }
0xbc: {  	s0 =	sadd.s32 $0x8F2B, s0  }
0xbd: {  	[sflag:s0] =	ssyncadd.remote.s32 $0x1  }
0xbe: {  	_ =	sfence.sel $0xFFFF  }
0xbf: {  	[dreg:$0x0] =	wrdreg $0xFFFFFFFF;
	(pc) =	sbr.abs _section_cstart, $3  }
0xc0: {  	[dreg:$0x1] =	wrdreg $0xFFFFFFFF  }
0xc1: {  	_ =	task.clear_ibuf [dreg:s6], $0x2FFFF;
	_ =	strace $0x9FFFFFFF  }
0xc2: {  	(tm) =	ssettm $0x7FFFFFFF  }
0xc3: {  	_ =	shalt  }
tec
execute0_lowered:
.L_overlay_start_1:
0x0: {  	(tag) =	ssettag $0x1  }
0x1: {  	s0 =	rddreg [dreg:$0x0]  }
0x2: {  	s1 =	rddreg [dreg:$0x1];
	s2 =	simm.s32 $0x0  }
0x3: {  	s3 =	srdreg.scid;
	s13 =	stileid.u32;
	s14 =	simm.s32 $0x2  }
0x4: {  	s20 =	simm.s32 $0x280;
	s19 =	simm.s32 $0x4600;
	s21 =	simm.s32 $0x1680  }
0x5: {  	s22 =	simm.s32 $0x4880;
	s23 =	simm.s32 $0x1;
	s24 =	simm.s32 $0x7E00  }
0x6: {  	s25 =	simm.s32 $0x9700;
	s26 =	simm.s32 $0x0;
	[smem:$0x7FF] =	sst s2  }
0x7: {  	s5 =	sand.u32 $0x1, s3;
	s4 =	sshll.u32 s13, $0x1;
	s3 =	sadd.s32 $0x10000, s0  }
0x8: {  	s7 =	sadd.s32 $0x10200, s0;
	p0 =	sne.s32 s13, $0x0;
	s6 =	sor.u32 s5, s4  }
0x9: {  	_ =	strace $0x80000047;
	s9 =	ssub.s32 $0x2, s5;
	s8 =	smul.u32 $0x320, s6  }
0xa: {  	s4 =	sadd.s32 $0x3000, s0;
	s5 =	sadd.s32 $0x3400, s0;
	s10 =	sshrl.u32 s9, $0x1  }
0xb: {  	s6 =	sadd.s32 $0x10400, s0;
	s12 =	ssub.s32 s9, s10;
	s0 =	sadd.s32 s8, s0  }
0xc: {  	s13 =	sshrl.u32 @!p0 s1, $0x3;
	s12 =	smax.u32 s12, $0x1;
	s8 =	sadd.s32 $0x3800, s0  }
0xd: {  	s9 =	sadd.s32 $0x9C00, s0;
	s10 =	sadd.s32 $0x10600, s0;
	s11 =	sadd.s32 $0x16A00, s0  }
.LBB2_1:
0xe: {  	s0 =	simm.s32 @!p0 $0x1C02  }
0xf: {  	[spmem:s13], [sflag:s0] =	dma.local @!p0 [hbm:s3], $0x10  }
0x10: {  	s0 =	simm.s32 @!p0 $0x2  }
0x11: {  	_ =	swait.ge @!p0 [sflag:s0], $0x10  }
0x12: {  	[sflag:s0] =	ssyncset.done @!p0 $0x0  }
0x13: {  	[sflag:s0] =	ssyncadd.s32 @!p0 $0xFFFFFFF0  }
0x14: {  	[tilespmem:s2], [sflag:$0x2] =	stream.linear.gather [hbm4b:s8+s2], $0x1900, $0x38;
	[tilespmem:$0xB008] =	vst v63  }
0x15: {  	_ =	swait.ge [sflag:s14], $0x1900  }
0x16: {  	[sflag:s14] =	ssyncset.done $0x0  }
0x17: {  	s15 =	simm.s32 $0x1900;
	[sflag:s14] =	ssyncadd.s32 $0xFFFFE700  }
0x18: {  	[tilespmem:s15], [sflag:$0x2] =	stream.linear.gather [hbm4b:s9+s2], $0x1900, $0x38;
	[tilespmem:$0xB008] =	vst v63  }
0x19: {  	_ =	swait.ge [sflag:s14], $0x1900  }
0x1a: {  	[sflag:s14] =	ssyncset.done $0x0  }
0x1b: {  	s16 =	simm.s32 $0x4B00;
	[sflag:s14] =	ssyncadd.s32 $0xFFFFE700  }
0x1c: {  	[tilespmem:s16], [sflag:$0x2] =	stream.linear.gather [hbm4b:s4+s2], $0x1900, $0x38;
	[tilespmem:$0xB008] =	vst v63  }
0x1d: {  	_ =	swait.ge [sflag:s14], $0x1900  }
0x1e: {  	[sflag:s14] =	ssyncset.done $0x0  }
0x1f: {  	s17 =	simm.s32 $0x6400;
	[sflag:s14] =	ssyncadd.s32 $0xFFFFE700  }
0x20: {  	[tilespmem:s17], [sflag:$0x2] =	stream.linear.gather [hbm4b:s5+s2], $0x1900, $0x38;
	[tilespmem:$0xB008] =	vst v63  }
0x21: {  	_ =	swait.ge [sflag:s14], $0x1900  }
0x22: {  	[sflag:s14] =	ssyncset.done $0x0  }
0x23: {  	s18 =	simm.s32 $0x7D00;
	[sflag:s14] =	ssyncadd.s32 $0xFFFFE700  }
0x24: {  	[tilespmem:s18], [sflag:$0x2] =	stream.linear.gather [hbm4b:s6+s2], $0x80, $0x38;
	[tilespmem:$0xB008] =	vst v63  }
0x25: {  	_ =	swait.ge [sflag:s14], $0x80  }
0x26: {  	[sflag:s14] =	ssyncset.done $0x0  }
0x27: {  	s15 =	simm.s32 $0x7D80;
	[sflag:s14] =	ssyncadd.s32 $0xFFFFFF80  }
0x28: {  	[tilespmem:s15], [sflag:$0x2] =	stream.linear.gather [hbm4b:s7+s2], $0x80, $0x38;
	[tilespmem:$0xB008] =	vst v63  }
0x29: {  	_ =	swait.ge [sflag:s14], $0x80  }
0x2a: {  	[sflag:s14] =	ssyncset.done $0x0  }
0x2b: {  	[sflag:s14] =	ssyncadd.s32 $0xFFFFFF80  }
0x2c: {  	s16 =	simm.s32 $0x3200;
	[bflag:$0x0] =	sbarrier.arrive $0xFFFF  }
0x2d: {  	[tilespmem:s16], [sflag:$0x1] =	stream.indirect.gather [spmem:s1], $0x1, s2, s20, $0xb8;
	[tilespmem:$0xB008] =	vst v63  }
0x2e: {  	s17 =	simm.s32 $0x3480  }
0x2f: {  	[tilespmem:s17], [sflag:$0x1] =	stream.indirect.gather [spmem:s1], $0x1, s20, s20, $0xb8;
	[tilespmem:$0xB008] =	vst v63  }
0x30: {  	s18 =	simm.s32 $0x500;
	s15 =	simm.s32 $0x3700  }
0x31: {  	[tilespmem:s15], [sflag:$0x1] =	stream.indirect.gather [spmem:s1], $0x1, s18, s20, $0xb8;
	[tilespmem:$0xB008] =	vst v63  }
0x32: {  	s16 =	simm.s32 $0x3980;
	s15 =	simm.s32 $0x780  }
0x33: {  	[tilespmem:s16], [sflag:$0x1] =	stream.indirect.gather [spmem:s1], $0x1, s15, s20, $0xb8;
	[tilespmem:$0xB008] =	vst v63  }
0x34: {  	s17 =	simm.s32 $0xA00;
	s18 =	simm.s32 $0x3C00  }
0x35: {  	[tilespmem:s18], [sflag:$0x1] =	stream.indirect.gather [spmem:s1], $0x1, s17, s20, $0xb8;
	[tilespmem:$0xB008] =	vst v63  }
0x36: {  	s15 =	simm.s32 $0xC80;
	s16 =	simm.s32 $0x3E80  }
0x37: {  	[tilespmem:s16], [sflag:$0x1] =	stream.indirect.gather [spmem:s1], $0x1, s15, s20, $0xb8;
	[tilespmem:$0xB008] =	vst v63  }
0x38: {  	s17 =	simm.s32 $0xF00;
	s18 =	simm.s32 $0x4100  }
0x39: {  	[tilespmem:s18], [sflag:$0x1] =	stream.indirect.gather [spmem:s1], $0x1, s17, s20, $0xb8;
	[tilespmem:$0xB008] =	vst v63  }
0x3a: {  	s16 =	simm.s32 $0x1180;
	s17 =	simm.s32 $0x4380  }
0x3b: {  	[tilespmem:s17], [sflag:$0x1] =	stream.indirect.gather [spmem:s1], $0x1, s16, s20, $0xb8;
	[tilespmem:$0xB008] =	vst v63  }
0x3c: {  	s18 =	simm.s32 $0x1400  }
0x3d: {  	[tilespmem:s19], [sflag:$0x1] =	stream.indirect.gather [spmem:s1], $0x1, s18, s20, $0xb8;
	[tilespmem:$0xB008] =	vst v63  }
0x3e: {  	_ = 	snop  }
0x3f: {  	[tilespmem:s22], [sflag:$0x1] =	stream.indirect.gather [spmem:s1], $0x1, s21, s20, $0xb8;
	[tilespmem:$0xB008] =	vst v63  }
0x40: {  	_ =	swait.ge [sflag:s23], $0x280  }
0x41: {  	[sflag:s23] =	ssyncset.done $0x0  }
0x42: {  	[sflag:s23] =	ssyncadd.s32 $0xFFFFFD80  }
0x43: {  	_ =	swait.ge [sflag:s23], $0x280  }
0x44: {  	[sflag:s23] =	ssyncset.done $0x0  }
0x45: {  	[sflag:s23] =	ssyncadd.s32 $0xFFFFFD80  }
0x46: {  	_ =	swait.ge [sflag:s23], $0x280  }
0x47: {  	[sflag:s23] =	ssyncset.done $0x0  }
0x48: {  	[sflag:s23] =	ssyncadd.s32 $0xFFFFFD80  }
0x49: {  	_ =	swait.ge [sflag:s23], $0x280  }
0x4a: {  	[sflag:s23] =	ssyncset.done $0x0  }
0x4b: {  	[sflag:s23] =	ssyncadd.s32 $0xFFFFFD80  }
0x4c: {  	_ =	swait.ge [sflag:s23], $0x280  }
0x4d: {  	[sflag:s23] =	ssyncset.done $0x0  }
0x4e: {  	[sflag:s23] =	ssyncadd.s32 $0xFFFFFD80  }
0x4f: {  	_ =	swait.ge [sflag:s23], $0x280  }
0x50: {  	[sflag:s23] =	ssyncset.done $0x0  }
0x51: {  	[sflag:s23] =	ssyncadd.s32 $0xFFFFFD80  }
0x52: {  	_ =	swait.ge [sflag:s23], $0x280  }
0x53: {  	[sflag:s23] =	ssyncset.done $0x0  }
0x54: {  	[sflag:s23] =	ssyncadd.s32 $0xFFFFFD80  }
0x55: {  	_ =	swait.ge [sflag:s23], $0x280  }
0x56: {  	[sflag:s23] =	ssyncset.done $0x0  }
0x57: {  	[sflag:s23] =	ssyncadd.s32 $0xFFFFFD80  }
0x58: {  	_ =	swait.ge [sflag:s23], $0x280  }
0x59: {  	[sflag:s23] =	ssyncset.done $0x0  }
0x5a: {  	[sflag:s23] =	ssyncadd.s32 $0xFFFFFD80  }
0x5b: {  	_ =	swait.ge [sflag:s23], $0x280  }
0x5c: {  	[sflag:s23] =	ssyncset.done $0x0  }
0x5d: {  	s28 =	simm.s32 $0x0;
	[sflag:s23] =	ssyncadd.s32 $0xFFFFFD80  }
0x5e: {  	v2 =	vld [tilespmem:s28+$0x1900]  }
0x5f: {  	v1 =	vld [tilespmem:$0x7D00]  }
0x60: {  	v0 =	vld [tilespmem:$0x7D80]  }
0x61: {  	s29 =	simm.s32 $0x10;
	v3 =	vld [tilespmem:s28+$0x3200]  }
0x62: {  	v4 =	vld [tilespmem:s29+$0x1900]  }
0x63: {  	v5 =	vld [tilespmem:s28+$0x6400];
	v2 =	vcvt.s32.f32 v2  }
0x64: {  	v6 =	vld [tilespmem:s28+$0x4B00]  }
0x65: {  	v9 =	vld [tilespmem:s29+$0x3200];
	v7 =	vmul.f32 v2, v0;
	v2 =	vmul.f32 v2, v1  }
0x66: {  	v8 =	vand.u32 $0xFFFF0000, v3;
	v3 =	vshll.u32 v3, $0x10  }
0x67: {  	v7 =	vadd.f32 v8, v7;
	v2 =	vadd.f32 v3, v2;
	v3 =	vcvt.s32.f32 v4  }
0x68: {  	s30 =	simm.s32 $0x20;
	v4 =	vld [tilespmem:s29+$0x4B00]  }
0x69: {  	v8 =	vld [tilespmem:s30+$0x1900];
	v5 =	vadd.f32 v5, v7;
	v2 =	vadd.f32 v2, v6;
	v7 =	vmul.f32 v3, v1  }
0x6a: {  	v10 =	vld [tilespmem:s29+$0x6400];
	v11 =	vshll.u32 v9, $0x10  }
0x6b: {  	v6 =	vld [tilespmem:s30+$0x6400];
	v3 =	vmul.f32 v3, v0;
	[tilespmem:s28+$0x9700] =	vst v5;
	v2 =	vsub.f32 $0.0e+00, v2;
	v7 =	vadd.f32 v11, v7  }
0x6c: {  	s31 =	simm.s32 $0x30;
	v5 =	vand.u32 $0xFFFF0000, v9;
	v9 =	vld [tilespmem:s30+$0x3200]  }
0x6d: {  	v3 =	vadd.f32 v5, v3;
	v2 =	vmul.f32 $1.442695020e+00, v2;
	v4 =	vadd.f32 v7, v4;
	v7 =	vld [tilespmem:s31+$0x1900]  }
0x6e: {  	v5 =	vcvt.s32.f32 v8  }
0x6f: {  	v8 =	vld [tilespmem:s30+$0x4B00];
	v3 =	vadd.f32 v10, v3;
	(erf) = vpow2.f32 v2;
	v4 =	vsub.f32 $0.0e+00, v4  }
0x70: {  	v2 =	vmul.f32 v5, v0;
	v5 =	vmul.f32 v5, v1  }
0x71: {  	v10 =	vld [tilespmem:s31+$0x6400];
	[tilespmem:s29+$0x9700] =	vst v3;
	v11 =	vand.u32 $0xFFFF0000, v9;
	v3 =	vshll.u32 v9, $0x10;
	v4 =	vmul.f32 $1.442695020e+00, v4  }
0x72: {  	v9 =	vld [tilespmem:s31+$0x3200];
	v2 =	vadd.f32 v11, v2;
	v3 =	vadd.f32 v3, v5;
	v5 =	vcvt.s32.f32 v7  }
0x73: {  	s0 =	simm.s32 $0x40;
	(erf) = vpow2.f32 v4  }
0x74: {  	v4 =	vld [tilespmem:s0+$0x1900];
	v6 =	vadd.f32 v6, v2;
	v3 =	vadd.f32 v3, v8;
	v7 =	vmul.f32 v5, v1  }
0x75: {  	v11 =	vld [tilespmem:s31+$0x4B00]  }
0x76: {  	v2 =	vld [tilespmem:s0+$0x6400];
	[tilespmem:s30+$0x9700] =	vst v6;
	v3 =	vsub.f32 $0.0e+00, v3  }
0x77: {  	v5 =	vmul.f32 v5, v0;
	v6 =	vshll.u32 v9, $0x10;
	v8 =	vld [tilespmem:s0+$0x3200]  }
0x78: {  	v9 =	vand.u32 $0xFFFF0000, v9;
	v6 =	vadd.f32 v6, v7;
	v7 =	vpop (erf);
	v3 =	vmul.f32 $1.442695020e+00, v3  }
0x79: {  	v9 =	vadd.f32 v9, v5;
	v4 =	vcvt.s32.f32 v4;
	v12 =	vadd.f32 $1.000000000e+00, v7  }
0x7a: {  	s15 =	simm.s32 $0x50;
	v5 =	vld [tilespmem:s0+$0x4B00];
	v6 =	vadd.f32 v6, v11;
	(erf) = vpow2.f32 v3  }
0x7b: {  	v7 =	vld [tilespmem:s15+$0x1900];
	v9 =	vadd.f32 v10, v9;
	v10 =	vmul.f32 v4, v1;
	(erf) = vrcp.f32 v12  }
0x7c: {  	v3 =	vld [tilespmem:s15+$0x6400];
	v11 =	vmul.f32 v4, v0;
	v13 =	vsub.f32 $0.0e+00, v6;
	v4 =	vshll.u32 v8, $0x10  }
0x7d: {  	[tilespmem:s31+$0x9700] =	vst v9;
	v6 =	vand.u32 $0xFFFF0000, v8;
	v8 =	vpop (erf);
	v9 =	vadd.f32 v4, v10  }
0x7e: {  	s16 =	simm.s32 $0x180;
	v4 =	vld [tilespmem:s15+$0x3200];
	v6 =	vadd.f32 v6, v11;
	v10 =	vmul.f32 $1.442695020e+00, v13;
	v8 =	vadd.f32 $1.000000000e+00, v8  }
.LBB2_2:
0x7f: {  	s17 =	sshra.s32 s16, $0x2  }
0x80: {  	v11 =	vcvt.s32.f32 v7;
	v9 =	vadd.f32 v9, v5;
	v5 =	vld [tilespmem:s15+$0x4B00];
	(erf) = vpow2.f32 v10;
	s18 =	smov.u32 s31;
	s31 =	smov.u32 s0;
	p1 =	sne.s32 s16, $0x63C0  }
.Ltmp0:
0x81: {  	s16 =	sadd.s32 $0x40, s16;
	v6 =	vadd.f32 v2, v6;
	v7 =	vld [tilespmem:s17+$0x1900];
	(erf) = vrcp.f32 v8;
	v2 =	vmov v3;
	(pc) =	sbr.rel @p1 .LBB2_2-.Ltmp0, $4  }
0x82: {  	s0 =	smov.u32 s15;
	s15 =	smov.u32 s17;
	v3 =	vld [tilespmem:s17+$0x6400];
	v8 =	vmul.f32 v11, v1;
	v10 =	vmul.f32 v11, v0;
	v14 =	vsub.f32 $0.0e+00, v9  }
0x83: {  	v9 =	vshll.u32 v4, $0x10;
	v12 =	vand.u32 $0xFFFF0000, v4;
	[tilespmem:s31+$0x9700] =	vst v6;
	v13 =	vpop (erf)  }
0x84: {  	v4 =	vld [tilespmem:s15+$0x3200];
	v9 =	vadd.f32 v9, v8;
	v6 =	vadd.f32 v12, v10;
	v10 =	vmul.f32 $1.442695020e+00, v14;
	v11 =	vpop (erf)  }
0x85: {  	v8 =	vadd.f32 $1.000000000e+00, v13;
	[tilespmem:s28+$0x7E00] =	vst v11;
	s28 =	smov.u32 s29;
	s29 =	smov.u32 s30;
	s30 =	smov.u32 s18  }
0x86: {  	v7 =	vcvt.s32.f32 v7  }
0x87: {  	v11 =	vld [tilespmem:s15+$0x4B00]  }
0x88: {  	v1 =	vmul.f32 v7, v1  }
0x89: {  	v12 =	vshll.u32 v4, $0x10  }
0x8a: {  	v5 =	vadd.f32 v9, v5;
	v1 =	vadd.f32 v12, v1;
	_ =	sdelay $0x1  }
0x8b: {  	v5 =	vsub.f32 $0.0e+00, v5;
	v1 =	vadd.f32 v1, v11;
	_ =	sdelay $0x1  }
0x8c: {  	(erf) = vpow2.f32 v10;
	v51 =	vpop (erf);
	v5 =	vmul.f32 $1.442695020e+00, v5;
	v1 =	vsub.f32 $0.0e+00, v1  }
0x8d: {  	(erf) = vrcp.f32 v8;
	v52 =	vadd.f32 $1.000000000e+00, v51  }
0x8e: {  	(erf) = vpow2.f32 v5;
	v1 =	vmul.f32 $1.442695020e+00, v1  }
0x8f: {  	(erf) = vrcp.f32 v52  }
0x90: {  	(erf) = vpow2.f32 v1;
	_ =	sdelay $0x3  }
0x91: {  	v53 =	vpop (erf)  }
0x92: {  	v54 =	vpop (erf)  }
0x93: {  	v55 =	vpop (erf)  }
0x94: {  	v56 =	vpop (erf)  }
0x95: {  	v5 =	vadd.f32 $1.000000000e+00, v54;
	v57 =	vpop (erf)  }
0x96: {  	v9 =	vadd.f32 $1.000000000e+00, v56;
	v58 =	vpop (erf)  }
0x97: {  	(erf) = vrcp.f32 v5;
	v59 =	vadd.f32 $1.000000000e+00, v58  }
0x98: {  	v0 =	vmul.f32 v7, v0;
	(erf) = vrcp.f32 v9  }
0x99: {  	v60 =	vand.u32 $0xFFFF0000, v4;
	(erf) = vrcp.f32 v59  }
0x9a: {  	v2 =	vadd.f32 v2, v6;
	v0 =	vadd.f32 v60, v0;
	_ =	sdelay $0x1  }
0x9b: {  	[tilespmem:s0+$0x9700] =	vst v2;
	v0 =	vadd.f32 v3, v0  }
0x9c: {  	[tilespmem:s28+$0x7E00] =	vst v53  }
0x9d: {  	[tilespmem:s15+$0x9700] =	vst v0  }
0x9e: {  	[tilespmem:s29+$0x7E00] =	vst v55  }
0x9f: {  	[tilespmem:s30+$0x7E00] =	vst v57;
	v61 =	vpop (erf)  }
0xa0: {  	[tilespmem:s31+$0x7E00] =	vst v61;
	v62 =	vpop (erf)  }
0xa1: {  	[tilespmem:s0+$0x7E00] =	vst v62;
	v63 =	vpop (erf)  }
0xa2: {  	[tilespmem:s15+$0x7E00] =	vst v63  }
0xa3: {  	[hbm4b:s10+s2] =	stream.linear.scatter [tilespmem:s24], [sflag:$0x2], $0x1900, $0x38;
	[tilespmem:$0xB008] =	vst v63  }
0xa4: {  	s26 =	sadd.s32 $0x1, s26;
	_ =	swait.ge [sflag:s14], $0x1900  }
0xa5: {  	p1 =	sne.s32 s26, s12;
	[sflag:s14] =	ssyncset.done $0x0  }
.Ltmp1:
0xa6: {  	[sflag:s14] =	ssyncadd.s32 $0xFFFFE700;
	(pc) =	sbr.rel @p1 .LBB2_1-.Ltmp1, $4  }
0xa7: {  	[hbm4b:s11+s2] =	stream.linear.scatter [tilespmem:s25], [sflag:$0x2], $0x1900, $0x38;
	[tilespmem:$0xB008] =	vst v63  }
0xa8: {  	_ =	swait.ge [sflag:s14], $0x1900  }
0xa9: {  	[sflag:s14] =	ssyncset.done $0x0  }
0xaa: {  	[sflag:s14] =	ssyncadd.s32 $0xFFFFE700  }
0xab: {  	_ =	sfence.sel $0x180000  }
0xac: {  	[bflag:$0x0] =	sbarrier.arrive $0xFFFF  }
0xad: {  	_ =	strace $0x90000047  }
0xae: {  	[bflag:$0x2] =	sbarrier.arrive $0xFFFF  }
0xaf: {  	s0 =	rddreg [dreg:$0x2]  }
0xb0: {  	s0 =	sadd.s32 @!p0 $0x100000, s0  }
0xb1: {  	[sflag:s0] =	ssyncadd.tile.s32 @!p0 $0x1;
	_ =	shalt  }
.Lfunc_end2:
_tile_overlayer_lowered:
.L_overlay_start_2:
0xb2: {  	(tag) =	ssettag $0x2  }
0xb3: {  	s0 =	rddreg [dreg:$0x0];
	s2 =	stileid.u32  }
0xb4: {  	s1 =	rddreg [dreg:$0x1];
	p0 =	sne.s32 s2, $0x0  }
0xb5: {  	s3 =	rddreg [dreg:$0x2];
	[bflag:$0x3] =	sbarrier.arrive $0xFFFF;
	s2 =	simm.s32 @!p0 $0x1C02  }
0xb6: {  	[timem:s3], [sflag:s2] =	dma.local @!p0 [hbm:s0], s1  }
0xb7: {  	s0 =	simm.s32 @!p0 $0x2  }
0xb8: {  	_ =	swait.ge @!p0 [sflag:s0], s1  }
0xb9: {  	s1 =	ssub.s32 @!p0 $0x0, s1;
	[sflag:s0] =	ssyncset.done @!p0 $0x0  }
0xba: {  	[sflag:s0] =	ssyncadd.s32 @!p0 s1  }
0xbb: {  	[bflag:$0x3] =	sbarrier.arrive $0xFFFF  }
0xbc: {  	_ =	shalt  }

// kernel: kernel.9.cloned.1.call-start
scs
__scs_entry_jumppad:
0x0: {  	(pc) =	sbr.rel $0x88, $3  }
0x1: {  	(tag) =	ssettag $0x0;
	lr =	simm.s32 $0x1  }
0x2: {  	[smem:$0x3F94] =	sst lr;
	_ =	strace $0xD0000000  }
0x3: {  	_ = 	snop  }
0x4: {  	_ = 	snop  }
0x5: {  	_ = 	snop  }
0x6: {  	_ = 	snop  }
0x7: {  	_ = 	snop  }
__scs_overlays_trampoline_lowered:
0x8: {  	[smem:$0x3FA3] =	sst s0  }
0x9: {  	[smem:$0x3FA4] =	sst s1  }
0xa: {  	[smem:$0x3FA5] =	sst s2  }
0xb: {  	[smem:$0x3FA6] =	sst s3  }
0xc: {  	[smem:$0x3FA7] =	sst s4  }
0xd: {  	[smem:$0x3FA8] =	sst s5  }
0xe: {  	[smem:$0x3FA9] =	sst s6  }
0xf: {  	[smem:$0x3FAA] =	sst s7  }
0x10: {  	[smem:$0x3FAB] =	sst s8  }
0x11: {  	[smem:$0x3FAC] =	sst s9;
	s0 =	simm.s32 @!p0 $0x0  }
0x12: {  	s1 =	sld [smem:$0x3F92];
	s0 =	simm.s32 @p0 $0x1  }
0x13: {  	[smem:$0x3FAD] =	sst s0;
	s0 =	simm.s32 @!p1 $0x0  }
0x14: {  	s2 =	sld [smem:$0x3F91];
	s0 =	simm.s32 @p1 $0x1  }
0x15: {  	[smem:$0x3FAE] =	sst s0;
	s0 =	simm.s32 @!p2 $0x0  }
0x16: {  	s3 =	sld [smem:$0x3FDB];
	s0 =	simm.s32 @p2 $0x1  }
0x17: {  	s4 =	simm.s32 $0x1BF5;
	[smem:$0x3FB0] =	sst s0  }
0x18: {  	s0 =	sld [smem:$0x3F93];
	_ =	swait.ge [sflag:s4], $0x0  }
0x19: {  	s7 =	sld [smem:$0x3F94]  }
0x1a: {  	s8 =	sadd.s32 $0xFFFFE003, lr  }
0x1b: {  	s9 =	sadd.s32 $0xFFFFFEF7, lr;
	s5 =	simm.s32 $0xFFFFFFFF;
	p2 =	slt.u32 s8, $0xFFFFF086  }
0x1c: {  	p1 =	slt.u32 s9, $0xF7A;
	s5 =	simm.s32 @!p2 $0x0  }
0x1d: {  	s5 =	simm.s32 @p1 $0x1;
	p0 =	seq.s32 s7, s2  }
0x1e: {  	s7 =	smul.u32 @!p0 $0xF7A, s2;
	p2 =	seq.s32 @!p0 s5, $0x0  }
0x1f: {  	s9 =	smul.u32 $0xF7A, s1;
	s8 =	simm.s32 @!p0 $0x1BF5;
	p2 =	por !p2, p0  }
0x20: {  	[sflag:s8] =	ssyncset.s32 @!p0 $0xFFFFF086;
	s6 =	sadd.s32 @!p0 s3, s7;
	s7 =	simm.s32 @!p0 $0x108  }
0x21: {  	s3 =	sadd.s32 s3, s9;
	s6 =	sadd.s32 @!p0 $0x88, s6;
	s7 =	simm.s32 @p2 $0x1082  }
0x22: {  	[simem:s7], [sflag:s8] =	dma.local @!p0 [hbm:s6], $0xF7A  }
0x23: {  	s9 =	sor.u32 $0xD0000000, s2;
	s6 =	simm.s32 $0x108;
	_ =	swait.ge @!p0 [sflag:s8], $0x0  }
0x24: {  	s3 =	sadd.s32 $0x88, s3;
	s6 =	simm.s32 @!p1 $0x1082;
	[sflag:s4] =	ssyncset.s32 $0xFFFFF086  }
0x25: {  	[simem:s6], [sflag:s4] =	dma.local [hbm:s3], $0xF7A  }
0x26: {  	[smem:$0x3F94] =	sst s1;
	(tag) =	ssettag s2;
	_ =	strace s9  }
0x27: {  	s1 =	sld [smem:$0x3FA4]  }
0x28: {  	s2 =	sld [smem:$0x3FA5]  }
0x29: {  	s4 =	sld [smem:$0x3FA7]  }
0x2a: {  	p0 =	seq.s32 s5, $0x0;
	s5 =	sld [smem:$0x3FA8]  }
0x2b: {  	s6 =	sld [smem:$0x3FA9]  }
0x2c: {  	s7 =	sld [smem:$0x3FAA]  }
0x2d: {  	s3 =	simm.s32 $0x108;
	s8 =	sld [smem:$0x3FAB]  }
0x2e: {  	s3 =	simm.s32 @!p0 $0x1082;
	s9 =	sld [smem:$0x3FAC]  }
0x2f: {  	lr =	sadd.s32 s0, s3;
	s0 =	sld [smem:$0x3FA3]  }
0x30: {  	s3 =	sld [smem:$0x3FA6]  }
0x31: {  	[smem:$0x3FAF] =	sst s10  }
0x32: {  	s10 =	sld [smem:$0x3FAD];
	_ =	sdelay $0x3  }
0x33: {  	p0 =	seq.s32 s10, $0x1;
	s10 =	sld [smem:$0x3FAF];
	_ =	sdelay $0x3  }
0x34: {  	[smem:$0x3FAF] =	sst s10  }
0x35: {  	s10 =	sld [smem:$0x3FAE];
	_ =	sdelay $0x3  }
0x36: {  	p1 =	seq.s32 s10, $0x1;
	s10 =	sld [smem:$0x3FAF];
	_ =	sdelay $0x3  }
0x37: {  	[smem:$0x3FAF] =	sst s10  }
0x38: {  	s10 =	sld [smem:$0x3FB0]  }
0x39: {  	_ = 	snop;
	(pc) =	sbr.ind lr, $3  }
0x3a: {  	_ = 	snop  }
0x3b: {  	_ = 	snop  }
0x3c: {  	p2 =	seq.s32 s10, $0x1;
	s10 =	sld [smem:$0x3FAF]  }
0x3d: {  	_ =	shalt  }
0x3e: {  	_ =	shalt  }
0x3f: {  	_ =	shalt  }
0x40: {  	_ =	shalt  }
0x41: {  	_ =	shalt  }
0x42: {  	_ =	shalt  }
0x43: {  	_ =	shalt  }
0x44: {  	_ =	shalt  }
0x45: {  	_ =	shalt  }
0x46: {  	_ =	shalt  }
0x47: {  	_ =	shalt  }
0x48: {  	_ =	shalt  }
0x49: {  	_ =	shalt  }
0x4a: {  	_ =	shalt  }
0x4b: {  	_ =	shalt  }
0x4c: {  	_ =	shalt  }
0x4d: {  	_ =	shalt  }
0x4e: {  	_ =	shalt  }
0x4f: {  	_ =	shalt  }
0x50: {  	_ =	shalt  }
0x51: {  	_ =	shalt  }
0x52: {  	_ =	shalt  }
0x53: {  	_ =	shalt  }
0x54: {  	_ =	shalt  }
0x55: {  	_ =	shalt  }
0x56: {  	_ =	shalt  }
0x57: {  	_ =	shalt  }
0x58: {  	_ =	shalt  }
0x59: {  	_ =	shalt  }
0x5a: {  	_ =	shalt  }
0x5b: {  	_ =	shalt  }
0x5c: {  	_ =	shalt  }
0x5d: {  	_ =	shalt  }
0x5e: {  	_ =	shalt  }
0x5f: {  	_ =	shalt  }
0x60: {  	_ =	shalt  }
0x61: {  	_ =	shalt  }
0x62: {  	_ =	shalt  }
0x63: {  	_ =	shalt  }
0x64: {  	_ =	shalt  }
0x65: {  	_ =	shalt  }
0x66: {  	_ =	shalt  }
0x67: {  	_ =	shalt  }
0x68: {  	_ =	shalt  }
0x69: {  	_ =	shalt  }
0x6a: {  	_ =	shalt  }
0x6b: {  	_ =	shalt  }
0x6c: {  	_ =	shalt  }
0x6d: {  	_ =	shalt  }
0x6e: {  	_ =	shalt  }
0x6f: {  	_ =	shalt  }
0x70: {  	_ =	shalt  }
0x71: {  	_ =	shalt  }
0x72: {  	_ =	shalt  }
0x73: {  	_ =	shalt  }
0x74: {  	_ =	shalt  }
0x75: {  	_ =	shalt  }
0x76: {  	_ =	shalt  }
0x77: {  	_ =	shalt  }
0x78: {  	_ =	shalt  }
0x79: {  	_ =	shalt  }
0x7a: {  	_ =	shalt  }
0x7b: {  	_ =	shalt  }
0x7c: {  	_ =	shalt  }
0x7d: {  	_ =	shalt  }
0x7e: {  	_ =	shalt  }
0x7f: {  	_ =	shalt  }
0x80: {  	_ =	shalt  }
0x81: {  	_ =	shalt  }
0x82: {  	_ =	shalt  }
0x83: {  	_ =	shalt  }
0x84: {  	_ =	shalt  }
0x85: {  	_ =	shalt  }
0x86: {  	_ =	shalt  }
0x87: {  	_ =	shalt  }
.Lfunc_end0:
.L_simem_size_0:
called_computation.1_lowered:
.L_overlay_start_0:
0x88: {  	s2 =	sld [smem:$0x3FD9]  }
0x89: {  	s3 =	sld [smem:$0x3FFE];
	_ =	sdelay $0x1  }
0x8a: {  	s1 =	srdreg.scid  }
0x8b: {  	s0 =	sand.u32 $0x1, s1  }
0x8c: {  	s14 =	sshll.u32 s0, $0xA;
	s2 =	sadd.s32 s3, s2  }
0x8d: {  	s2 =	sadd.s32 s2, s14  }
0x8e: {  	[smem:$0x3FBB] =	sst s2  }
0x8f: {  	_ = 	snop  }
0x90: {  	s2 =	sld [smem:$0x3FD0];
	_ =	sdelay $0x2  }
0x91: {  	s15 =	simm.s32 $0xA;
	s4 =	simm.s32 $0x10  }
0x92: {  	[smem:s4], [sflag:s15] =	dma.local [hbm:s2], $0x1  }
0x93: {  	_ =	swait.eq [sflag:s15], $0x1  }
0x94: {  	[sflag:s15] =	ssyncset.done $0x0  }
0x95: {  	s16 =	sld [smem:$0x10];
	[sflag:s15] =	ssyncadd.s32 $0xFFFFFFFF  }
0x96: {  	s17 =	sld [smem:$0x11];
	(tm) =	ssettm $0x1  }
0x97: {  	s18 =	sld [smem:$0x3FFB];
	_ =	sdelay $0x3  }
0x98: {  	_ =	strace s18  }
0x99: {  	s4 =	sld [smem:$0x3FFC];
	_ =	sdelay $0x3  }
0x9a: {  	_ =	strace s4  }
0x9b: {  	s4 =	sld [smem:$0x3FFD];
	_ =	sdelay $0x3  }
0x9c: {  	_ =	strace s4  }
0x9d: {  	_ =	strace $0x8FFFFFFF  }
0x9e: {  	s19 =	sld [smem:$0x3FDB];
	_ =	sdelay $0x1  }
0x9f: {  	s5 =	simm.s32 $_scs_section_size  }
0xa0: {  	s6 =	simm.s32 $_size__tile_overlayer_lowered;
	s7 =	simm.s32 $_tile_overlayer_lowered  }
0xa1: {  	s22 =	simm.s32 $0x1BFF;
	s21 =	sshll.u32 s7, $0x1;
	s4 =	sadd.s32 s5, s19  }
0xa2: {  	s8 =	simm.s32 $0x0;
	s20 =	sshll.u32 s6, $0x1;
	s6 =	sadd.s32 s21, s4  }
0xa3: {  	[timem:s8], [sflag:s22] =	dma.local [hbm:s6], s20  }
0xa4: {  	_ =	swait.ge [sflag:s22], s20  }
0xa5: {  	s5 =	ssub.s32 $0x0, s20;
	[sflag:s22] =	ssyncset.done $0x0  }
0xa6: {  	[sflag:s22] =	ssyncadd.s32 s5;
	_ =	sdelay $0x1  }
0xa7: {  	s23 =	simm.s32 $0x1B8B  }
0xa8: {  	_ =	swait.ge [sflag:s23], $0x1  }
0xa9: {  	[sflag:s23] =	ssyncset.done $0x0  }
0xaa: {  	s25 =	simm.s32 $0x1B8E;
	s24 =	sld [smem:$0x3FFE];
	[sflag:s23] =	ssyncadd.s32 $0xFFFFFFFF  }
0xab: {  	s26 =	simm.s32 $execute0_lowered;
	[smem:$0x3FD2] =	sst s25  }
0xac: {  	s6 =	sshll.u32 s26, $0x1;
	_ =	strace $0x80000049;
	[dreg:$0x1] =	wrdreg $0xFFFFFFFF  }
0xad: {  	s28 =	simm.s32 $_size_execute0_lowered;
	s4 =	sadd.s32 s4, s6;
	[dreg:$0x0] =	wrdreg $0x0  }
0xae: {  	s6 =	sshll.u32 s28, $0x1;
	[dreg:$0x2] =	wrdreg s4  }
0xaf: {  	[dreg:$0x3] =	wrdreg s6  }
0xb0: {  	[dreg:$0x4] =	wrdreg $0xC0  }
0xb1: {  	_ =	task [dreg:s8], $0x5FFFF  }
0xb2: {  	[dreg:$0x1] =	wrdreg $0xFFFFFFFF  }
0xb3: {  	[dreg:$0x0] =	wrdreg $0x60  }
0xb4: {  	[dreg:$0x2] =	wrdreg s17  }
0xb5: {  	[dreg:$0x3] =	wrdreg s16  }
0xb6: {  	[dreg:$0x4] =	wrdreg s24  }
0xb7: {  	[dreg:$0x5] =	wrdreg $0xFA000  }
0xb8: {  	[dreg:$0x6] =	wrdreg $0xE1000  }
0xb9: {  	[dreg:$0x7] =	wrdreg $0x9  }
0xba: {  	_ =	task.clear_ibuf [dreg:s8], $0x8FFFF;
	_ =	strace $0x90000049  }
0xbb: {  	s29 =	simm.s32 $0x9;
	_ =	strace $0x8000004B  }
0xbc: {  	_ =	swait.ge [sflag:s29], $0x1  }
0xbd: {  	[sflag:s29] =	ssyncadd.s32 $0xFFFFFFFF  }
0xbe: {  	_ =	strace $0x9000004B  }
0xbf: {  	_ =	sfence  }
0xc0: {  	s30 =	sld [smem:$0x0];
	_ =	sdelay $0x2  }
0xc1: {  	s31 =	sshll.u32 s1, $0xD;
	s1 =	sshrl.u32 s1, $0x2  }
0xc2: {  	s3 =	sand.u32 $0x4000, s31;
	s1 =	sadd.s32 s1, s30  }
0xc3: {  	s0 =	sor.u32 s3, s0;
	s1 =	sshll.u32 s1, $0x11  }
0xc4: {  	s0 =	sor.u32 s1, s0  }
0xc5: {  	s0 =	sadd.s32 $0x8F2B, s0  }
0xc6: {  	[sflag:s0] =	ssyncadd.remote.s32 $0x1  }
0xc7: {  	_ =	sfence.sel $0xFFFF  }
0xc8: {  	[dreg:$0x0] =	wrdreg $0xFFFFFFFF;
	(pc) =	sbr.abs _section_cstart, $3  }
0xc9: {  	[dreg:$0x1] =	wrdreg $0xFFFFFFFF  }
0xca: {  	_ =	task.clear_ibuf [dreg:s8], $0x2FFFF;
	_ =	strace $0x9FFFFFFF  }
0xcb: {  	(tm) =	ssettm $0x7FFFFFFF  }
tec
execute0_lowered:
.L_overlay_start_1:
0x0: {  	(tag) =	ssettag $0x1  }
0x1: {  	s0 =	rddreg [dreg:$0x0]  }
0x2: {  	s2 =	rddreg [dreg:$0x1]  }
0x3: {  	s5 =	rddreg [dreg:$0x2]  }
0x4: {  	s1 =	rddreg [dreg:$0x3]  }
0x5: {  	s3 =	rddreg [dreg:$0x4];
	s4 =	simm.s32 $0x0;
	s13 =	stileid.u32  }
0x6: {  	s6 =	srdreg.scid;
	s17 =	simm.s32 $0x3;
	s20 =	simm.s32 $0x3200  }
0x7: {  	s23 =	simm.s32 $0x280;
	s25 =	simm.s32 $0x2;
	s26 =	simm.s32 $0x1  }
0x8: {  	s30 =	simm.s32 $0x0;
	[smem:$0x7FF] =	sst s4;
	s7 =	smul.u32 $0x1900, s13  }
0x9: {  	s8 =	smul.u32 $0x7C00, s13;
	s6 =	sand.u32 $0x1, s6;
	s9 =	sshll.u32 s13, $0x1  }
0xa: {  	s31 =	sshll.u32 s13, $0x6;
	_ =	strace $0x8000004A;
	s9 =	sor.u32 s6, s9  }
0xb: {  	s6 =	ssub.s32 $0x2, s6;
	s10 =	sshrl.u32 s7, $0x3;
	s11 =	sshrl.u32 s8, $0x3  }
0xc: {  	s9 =	smul.u32 $0x320, s9;
	s12 =	sshrl.u32 s6, $0x1;
	s16 =	sadd.s32 s8, s1  }
0xd: {  	s18 =	sadd.s32 s7, s3;
	s10 =	sadd.s32 s10, s5;
	s11 =	sadd.s32 s11, s5  }
0xe: {  	s15 =	ssub.s32 s6, s12;
	s6 =	sor.u32 $0x1C03, s31;
	s16 =	sshrl.u32 s16, $0x3  }
0xf: {  	s18 =	sshrl.u32 s18, $0x3;
	s14 =	sadd.s32 s9, s5;
	s5 =	sadd.s32 $0x1CE00, s11  }
0x10: {  	s7 =	sadd.s32 $0x2C600, s10;
	s8 =	sadd.s32 s0, s9;
	s9 =	sadd.s32 s2, s9  }
0x11: {  	s15 =	smax.u32 s15, $0x1;
	s10 =	sadd.s32 $0x2F800, s14;
	s11 =	sadd.s32 $0x10600, s14  }
0x12: {  	v0 =	vimm.s32 $0x0;
	s12 =	sadd.s32 $0x16A00, s14;
	s13 =	sadd.s32 $0x3000, s14;
	s14 =	sadd.s32 $0x9400, s14  }
.LBB2_1:
0x13: {  	[spmem:s16], [sflag:s6] =	dma.local [hbm:s5], $0xF80  }
0x14: {  	_ =	swait.ge [sflag:s17], $0xF80  }
0x15: {  	[sflag:s17] =	ssyncset.done $0x0  }
0x16: {  	[sflag:s17] =	ssyncadd.s32 $0xFFFFF080  }
0x17: {  	[spmem:s18], [sflag:s6] =	dma.local [hbm:s7], $0x320  }
0x18: {  	_ =	swait.ge [sflag:s17], $0x320  }
0x19: {  	[sflag:s17] =	ssyncset.done $0x0  }
0x1a: {  	[sflag:s17] =	ssyncadd.s32 $0xFFFFFCE0  }
0x1b: {  	[tilespmem:s4], [sflag:$0x3] =	stream.linear.gather [hbm4b:s8+s4], $0x1900, $0x38;
	[tilespmem:$0x17600] =	vst v63  }
0x1c: {  	_ =	swait.ge [sflag:s17], $0x1900  }
0x1d: {  	[sflag:s17] =	ssyncset.done $0x0  }
0x1e: {  	s0 =	simm.s32 $0x1900;
	[sflag:s17] =	ssyncadd.s32 $0xFFFFE700  }
0x1f: {  	[tilespmem:s0], [sflag:$0x3] =	stream.linear.gather [hbm4b:s9+s4], $0x1900, $0x38;
	[tilespmem:$0x17600] =	vst v63  }
0x20: {  	_ =	swait.ge [sflag:s17], $0x1900  }
0x21: {  	[sflag:s17] =	ssyncset.done $0x0  }
0x22: {  	[sflag:s17] =	ssyncadd.s32 $0xFFFFE700  }
0x23: {  	[tilespmem:s20], [sflag:$0x3] =	stream.linear.gather [hbm4b:s10+s4], $0x1900, $0x38;
	[tilespmem:$0x17600] =	vst v63  }
0x24: {  	_ =	swait.ge [sflag:s17], $0x1900  }
0x25: {  	[sflag:s17] =	ssyncset.done $0x0  }
0x26: {  	s24 =	simm.s32 $0x7D00;
	[sflag:s17] =	ssyncadd.s32 $0xFFFFE700  }
0x27: {  	[tilespmem:s24], [sflag:$0x3] =	stream.linear.gather [hbm4b:s11+s4], $0x1900, $0x38;
	[tilespmem:$0x17600] =	vst v63  }
0x28: {  	_ =	swait.ge [sflag:s17], $0x1900  }
0x29: {  	[sflag:s17] =	ssyncset.done $0x0  }
0x2a: {  	s29 =	simm.s32 $0x9600;
	[sflag:s17] =	ssyncadd.s32 $0xFFFFE700  }
0x2b: {  	[tilespmem:s29], [sflag:$0x3] =	stream.linear.gather [hbm4b:s12+s4], $0x1900, $0x38;
	[tilespmem:$0x17600] =	vst v63  }
0x2c: {  	_ =	swait.ge [sflag:s17], $0x1900  }
0x2d: {  	[sflag:s17] =	ssyncset.done $0x0  }
0x2e: {  	[sflag:s17] =	ssyncadd.s32 $0xFFFFE700  }
0x2f: {  	s2 =	simm.s32 $0x6400;
	[bflag:$0x0] =	sbarrier.arrive $0xFFFF  }
0x30: {  	[tilespmem:s2], [sflag:$0x2] =	stream.indirect.gather [spmem:s1], $0x1, s20, s23, $0xb8;
	[tilespmem:$0x17600] =	vst v63  }
0x31: {  	s19 =	simm.s32 $0x4B00  }
0x32: {  	[tilespmem:s19], [sflag:$0x1] =	stream.indirect.gather [spmem:s3], $0x1, s4, s23, $0xb8;
	[tilespmem:$0x17600] =	vst v63  }
0x33: {  	s21 =	simm.s32 $0x3480;
	s2 =	simm.s32 $0x6680  }
0x34: {  	[tilespmem:s2], [sflag:$0x2] =	stream.indirect.gather [spmem:s1], $0x1, s21, s23, $0xb8;
	[tilespmem:$0x17600] =	vst v63  }
0x35: {  	s22 =	simm.s32 $0x4D80  }
0x36: {  	[tilespmem:s22], [sflag:$0x1] =	stream.indirect.gather [spmem:s3], $0x1, s23, s23, $0xb8;
	[tilespmem:$0x17600] =	vst v63  }
0x37: {  	s24 =	simm.s32 $0x3700;
	s29 =	simm.s32 $0x6900  }
0x38: {  	[tilespmem:s29], [sflag:$0x2] =	stream.indirect.gather [spmem:s1], $0x1, s24, s23, $0xb8;
	[tilespmem:$0x17600] =	vst v63  }
0x39: {  	s19 =	simm.s32 $0x5000;
	s2 =	simm.s32 $0x500  }
0x3a: {  	[tilespmem:s19], [sflag:$0x1] =	stream.indirect.gather [spmem:s3], $0x1, s2, s23, $0xb8;
	[tilespmem:$0x17600] =	vst v63  }
0x3b: {  	s21 =	simm.s32 $0x3980;
	s22 =	simm.s32 $0x6B80  }
0x3c: {  	[tilespmem:s22], [sflag:$0x2] =	stream.indirect.gather [spmem:s1], $0x1, s21, s23, $0xb8;
	[tilespmem:$0x17600] =	vst v63  }
0x3d: {  	s24 =	simm.s32 $0x780;
	s29 =	simm.s32 $0x5280  }
0x3e: {  	[tilespmem:s29], [sflag:$0x1] =	stream.indirect.gather [spmem:s3], $0x1, s24, s23, $0xb8;
	[tilespmem:$0x17600] =	vst v63  }
0x3f: {  	s2 =	simm.s32 $0x3C00;
	s19 =	simm.s32 $0x6E00  }
0x40: {  	[tilespmem:s19], [sflag:$0x2] =	stream.indirect.gather [spmem:s1], $0x1, s2, s23, $0xb8;
	[tilespmem:$0x17600] =	vst v63  }
0x41: {  	s21 =	simm.s32 $0xA00;
	s22 =	simm.s32 $0x5500  }
0x42: {  	[tilespmem:s22], [sflag:$0x1] =	stream.indirect.gather [spmem:s3], $0x1, s21, s23, $0xb8;
	[tilespmem:$0x17600] =	vst v63  }
0x43: {  	s24 =	simm.s32 $0x3E80;
	s29 =	simm.s32 $0x7080  }
0x44: {  	[tilespmem:s29], [sflag:$0x2] =	stream.indirect.gather [spmem:s1], $0x1, s24, s23, $0xb8;
	[tilespmem:$0x17600] =	vst v63  }
0x45: {  	s2 =	simm.s32 $0xC80;
	s19 =	simm.s32 $0x5780  }
0x46: {  	[tilespmem:s19], [sflag:$0x1] =	stream.indirect.gather [spmem:s3], $0x1, s2, s23, $0xb8;
	[tilespmem:$0x17600] =	vst v63  }
0x47: {  	s21 =	simm.s32 $0x4100;
	s22 =	simm.s32 $0x7300  }
0x48: {  	[tilespmem:s22], [sflag:$0x2] =	stream.indirect.gather [spmem:s1], $0x1, s21, s23, $0xb8;
	[tilespmem:$0x17600] =	vst v63  }
0x49: {  	s24 =	simm.s32 $0xF00;
	s29 =	simm.s32 $0x5A00  }
0x4a: {  	[tilespmem:s29], [sflag:$0x1] =	stream.indirect.gather [spmem:s3], $0x1, s24, s23, $0xb8;
	[tilespmem:$0x17600] =	vst v63  }
0x4b: {  	s2 =	simm.s32 $0x4380;
	s19 =	simm.s32 $0x7580  }
0x4c: {  	[tilespmem:s19], [sflag:$0x2] =	stream.indirect.gather [spmem:s1], $0x1, s2, s23, $0xb8;
	[tilespmem:$0x17600] =	vst v63  }
0x4d: {  	s21 =	simm.s32 $0x1180;
	s22 =	simm.s32 $0x5C80  }
0x4e: {  	[tilespmem:s22], [sflag:$0x1] =	stream.indirect.gather [spmem:s3], $0x1, s21, s23, $0xb8;
	[tilespmem:$0x17600] =	vst v63  }
0x4f: {  	s24 =	simm.s32 $0x4600;
	s29 =	simm.s32 $0x7800  }
0x50: {  	[tilespmem:s29], [sflag:$0x2] =	stream.indirect.gather [spmem:s1], $0x1, s24, s23, $0xb8;
	[tilespmem:$0x17600] =	vst v63  }
0x51: {  	s2 =	simm.s32 $0x1400;
	s19 =	simm.s32 $0x5F00  }
0x52: {  	[tilespmem:s19], [sflag:$0x1] =	stream.indirect.gather [spmem:s3], $0x1, s2, s23, $0xb8;
	[tilespmem:$0x17600] =	vst v63  }
0x53: {  	s21 =	simm.s32 $0x4880;
	s22 =	simm.s32 $0x7A80  }
0x54: {  	[tilespmem:s22], [sflag:$0x2] =	stream.indirect.gather [spmem:s1], $0x1, s21, s23, $0xb8;
	[tilespmem:$0x17600] =	vst v63  }
0x55: {  	s24 =	simm.s32 $0x1680;
	s29 =	simm.s32 $0x6180  }
0x56: {  	[tilespmem:s29], [sflag:$0x1] =	stream.indirect.gather [spmem:s3], $0x1, s24, s23, $0xb8;
	[tilespmem:$0x17600] =	vst v63  }
0x57: {  	_ =	swait.ge [sflag:s25], $0x280  }
0x58: {  	[sflag:s25] =	ssyncset.done $0x0  }
0x59: {  	[sflag:s25] =	ssyncadd.s32 $0xFFFFFD80  }
0x5a: {  	_ =	swait.ge [sflag:s26], $0x280  }
0x5b: {  	[sflag:s26] =	ssyncset.done $0x0  }
0x5c: {  	[sflag:s26] =	ssyncadd.s32 $0xFFFFFD80  }
0x5d: {  	_ =	swait.ge [sflag:s25], $0x280  }
0x5e: {  	[sflag:s25] =	ssyncset.done $0x0  }
0x5f: {  	[sflag:s25] =	ssyncadd.s32 $0xFFFFFD80  }
0x60: {  	_ =	swait.ge [sflag:s26], $0x280  }
0x61: {  	[sflag:s26] =	ssyncset.done $0x0  }
0x62: {  	[sflag:s26] =	ssyncadd.s32 $0xFFFFFD80  }
0x63: {  	_ =	swait.ge [sflag:s25], $0x280  }
0x64: {  	[sflag:s25] =	ssyncset.done $0x0  }
0x65: {  	[sflag:s25] =	ssyncadd.s32 $0xFFFFFD80  }
0x66: {  	_ =	swait.ge [sflag:s26], $0x280  }
0x67: {  	[sflag:s26] =	ssyncset.done $0x0  }
0x68: {  	[sflag:s26] =	ssyncadd.s32 $0xFFFFFD80  }
0x69: {  	_ =	swait.ge [sflag:s25], $0x280  }
0x6a: {  	[sflag:s25] =	ssyncset.done $0x0  }
0x6b: {  	[sflag:s25] =	ssyncadd.s32 $0xFFFFFD80  }
0x6c: {  	_ =	swait.ge [sflag:s26], $0x280  }
0x6d: {  	[sflag:s26] =	ssyncset.done $0x0  }
0x6e: {  	[sflag:s26] =	ssyncadd.s32 $0xFFFFFD80  }
0x6f: {  	_ =	swait.ge [sflag:s25], $0x280  }
0x70: {  	[sflag:s25] =	ssyncset.done $0x0  }
0x71: {  	[sflag:s25] =	ssyncadd.s32 $0xFFFFFD80  }
0x72: {  	_ =	swait.ge [sflag:s26], $0x280  }
0x73: {  	[sflag:s26] =	ssyncset.done $0x0  }
0x74: {  	[sflag:s26] =	ssyncadd.s32 $0xFFFFFD80  }
0x75: {  	_ =	swait.ge [sflag:s25], $0x280  }
0x76: {  	[sflag:s25] =	ssyncset.done $0x0  }
0x77: {  	[sflag:s25] =	ssyncadd.s32 $0xFFFFFD80  }
0x78: {  	_ =	swait.ge [sflag:s26], $0x280  }
0x79: {  	[sflag:s26] =	ssyncset.done $0x0  }
0x7a: {  	[sflag:s26] =	ssyncadd.s32 $0xFFFFFD80  }
0x7b: {  	_ =	swait.ge [sflag:s25], $0x280  }
0x7c: {  	[sflag:s25] =	ssyncset.done $0x0  }
0x7d: {  	[sflag:s25] =	ssyncadd.s32 $0xFFFFFD80  }
0x7e: {  	_ =	swait.ge [sflag:s26], $0x280  }
0x7f: {  	[sflag:s26] =	ssyncset.done $0x0  }
0x80: {  	[sflag:s26] =	ssyncadd.s32 $0xFFFFFD80  }
0x81: {  	_ =	swait.ge [sflag:s25], $0x280  }
0x82: {  	[sflag:s25] =	ssyncset.done $0x0  }
0x83: {  	[sflag:s25] =	ssyncadd.s32 $0xFFFFFD80  }
0x84: {  	_ =	swait.ge [sflag:s26], $0x280  }
0x85: {  	[sflag:s26] =	ssyncset.done $0x0  }
0x86: {  	[sflag:s26] =	ssyncadd.s32 $0xFFFFFD80  }
0x87: {  	_ =	swait.ge [sflag:s25], $0x280  }
0x88: {  	[sflag:s25] =	ssyncset.done $0x0  }
0x89: {  	[sflag:s25] =	ssyncadd.s32 $0xFFFFFD80  }
0x8a: {  	_ =	swait.ge [sflag:s26], $0x280  }
0x8b: {  	[sflag:s26] =	ssyncset.done $0x0  }
0x8c: {  	[sflag:s26] =	ssyncadd.s32 $0xFFFFFD80  }
0x8d: {  	_ =	swait.ge [sflag:s25], $0x280  }
0x8e: {  	[sflag:s25] =	ssyncset.done $0x0  }
0x8f: {  	[sflag:s25] =	ssyncadd.s32 $0xFFFFFD80  }
0x90: {  	_ =	swait.ge [sflag:s26], $0x280  }
0x91: {  	[sflag:s26] =	ssyncset.done $0x0  }
0x92: {  	s2 =	simm.s32 $0x0;
	[sflag:s26] =	ssyncadd.s32 $0xFFFFFD80  }
0x93: {  	v1 =	vld [tilespmem:s2+$0x1900];
	_ =	sdelay $0x1  }
0x94: {  	v2 =	vld [tilespmem:s2+$0x6400];
	_ =	sdelay $0x1  }
0x95: {  	v3 =	vld [tilespmem:s2+$0x4B00]  }
0x96: {  	vm0 =	vlt.s32 v1, $0x7C000  }
0x97: {  	v1 =	vld [tilespmem:s2+$0x9600];
	v4 =	vsel vm0, $0x10, v0  }
0x98: {  	s31 =	simm.s32 $0x10;
	v2 =	vshll.u32 v2, v4  }
0x99: {  	v4 =	vld [tilespmem:s31+$0x1900];
	v2 =	vand.u32 $0xFFFF0000, v2  }
0x9a: {  	v2 =	vadd.f32 v2, v3  }
0x9b: {  	s0 =	simm.s32 $0x20;
	v3 =	vld [tilespmem:s31+$0x6400]  }
0x9c: {  	v1 =	vadd.f32 v2, v1;
	v2 =	vld [tilespmem:s0+$0x1900]  }
0x9d: {  	v5 =	vld [tilespmem:s31+$0x4B00]  }
0x9e: {  	v6 =	vld [tilespmem:s0+$0x6400];
	vm11 =	vlt.s32 v4, $0x7C000;
	v1 =	vsub.f32 $0.0e+00, v1  }
0x9f: {  	v4 =	vld [tilespmem:s31+$0x9600];
	v7 =	vsel vm11, $0x10, v0  }
0xa0: {  	v8 =	vld [tilespmem:s0+$0x4B00];
	v3 =	vshll.u32 v3, v7;
	v1 =	vmul.f32 $1.442695020e+00, v1  }
0xa1: {  	vm12 =	vlt.s32 v2, $0x7C000;
	v2 =	vand.u32 $0xFFFF0000, v3  }
0xa2: {  	v3 =	vld [tilespmem:s0+$0x9600];
	(erf) = vpow2.f32 v1;
	v1 =	vsel vm12, $0x10, v0;
	v2 =	vadd.f32 v2, v5  }
0xa3: {  	s21 =	simm.s32 $0x30;
	v1 =	vshll.u32 v6, v1  }
0xa4: {  	v1 =	vand.u32 $0xFFFF0000, v1;
	v2 =	vadd.f32 v2, v4;
	v4 =	vld [tilespmem:s21+$0x1900]  }
0xa5: {  	v1 =	vadd.f32 v1, v8  }
0xa6: {  	v5 =	vld [tilespmem:s21+$0x6400];
	v2 =	vsub.f32 $0.0e+00, v2  }
0xa7: {  	v1 =	vadd.f32 v1, v3  }
0xa8: {  	s19 =	simm.s32 $0x40;
	v3 =	vld [tilespmem:s21+$0x4B00];
	v2 =	vmul.f32 $1.442695020e+00, v2  }
0xa9: {  	v6 =	vld [tilespmem:s19+$0x1900];
	v1 =	vsub.f32 $0.0e+00, v1;
	vm13 =	vlt.s32 v4, $0x7C000  }
0xaa: {  	v4 =	vld [tilespmem:s21+$0x9600];
	(erf) = vpow2.f32 v2;
	v2 =	vsel vm13, $0x10, v0  }
0xab: {  	v1 =	vmul.f32 $1.442695020e+00, v1;
	v2 =	vshll.u32 v5, v2  }
0xac: {  	v7 =	vld [tilespmem:s19+$0x6400];
	v8 =	vpop (erf);
	v2 =	vand.u32 $0xFFFF0000, v2  }
0xad: {  	s22 =	simm.s32 $0x50;
	v5 =	vadd.f32 $1.000000000e+00, v8;
	v8 =	vld [tilespmem:s19+$0x4B00];
	(erf) = vpow2.f32 v1;
	v1 =	vadd.f32 v2, v3  }
0xae: {  	v2 =	vld [tilespmem:s22+$0x1900]  }
0xaf: {  	vm14 =	vlt.s32 v6, $0x7C000;
	v1 =	vadd.f32 v1, v4  }
0xb0: {  	v3 =	vld [tilespmem:s19+$0x9600];
	(erf) = vrcp.f32 v5;
	v5 =	vsel vm14, $0x10, v0  }
0xb1: {  	v4 =	vshll.u32 v7, v5;
	v7 =	vsub.f32 $0.0e+00, v1  }
0xb2: {  	v5 =	vld [tilespmem:s22+$0x6400];
	v4 =	vand.u32 $0xFFFF0000, v4  }
0xb3: {  	v6 =	vld [tilespmem:s2+$0x7D00];
	v4 =	vadd.f32 v4, v8;
	vm15 =	vlt.s32 v2, $0x7C000;
	v2 =	vpop (erf);
	v7 =	vmul.f32 $1.442695020e+00, v7  }
0xb4: {  	v8 =	vld [tilespmem:s22+$0x4B00];
	v10 =	vadd.f32 $1.000000000e+00, v2  }
0xb5: {  	s24 =	simm.s32 $0x60;
	v1 =	vld [tilespmem:s22+$0x9600];
	v9 =	vadd.f32 v4, v3;
	(erf) = vpow2.f32 v7  }
0xb6: {  	v3 =	vld [tilespmem:s24+$0x1900];
	v4 =	vsel vm15, $0x10, v0;
	(erf) = vrcp.f32 v10  }
0xb7: {  	v2 =	vshll.u32 v5, v4;
	v7 =	vsub.f32 $0.0e+00, v9  }
0xb8: {  	v4 =	vld [tilespmem:s24+$0x6400];
	v5 =	vand.u32 $0xFFFF0000, v2;
	v11 =	vpop (erf)  }
0xb9: {  	v2 =	vld [tilespmem:s31+$0x7D00];
	v8 =	vadd.f32 v5, v8;
	v9 =	vmul.f32 $1.442695020e+00, v7;
	v10 =	vpop (erf)  }
0xba: {  	s28 =	simm.s32 $0x1C0;
	v5 =	vld [tilespmem:s24+$0x4B00];
	v7 =	vadd.f32 $1.000000000e+00, v11;
	[tilespmem:s2+$0xC800] =	vst v10;
	v6 =	vmul.f32 v10, v6  }
.LBB2_2:
0xbb: {  	s29 =	sshra.s32 s28, $0x2;
	vm0 =	vlt.s32 v3, $0x7C000;
	v8 =	vadd.f32 v8, v1;
	v1 =	vld [tilespmem:s24+$0x9600];
	(erf) = vpow2.f32 v9;
	p0 =	sne.s32 s28, $0x63C0  }
.Ltmp0:
0xbc: {  	s28 =	sadd.s32 $0x40, s28;
	v3 =	vld [tilespmem:s29+$0x1900];
	v9 =	vsel vm0, $0x10, v0;
	(erf) = vrcp.f32 v7;
	[tilespmem:s2+$0xAF00] =	vst v6;
	(pc) =	sbr.rel @p0 .LBB2_2-.Ltmp0, $4  }
0xbd: {  	s2 =	smov.u32 s31;
	s31 =	smov.u32 s0;
	s0 =	smov.u32 s21;
	v13 =	vshll.u32 v4, v9;
	v7 =	vsub.f32 $0.0e+00, v8  }
0xbe: {  	s21 =	smov.u32 s19;
	s19 =	smov.u32 s22;
	s22 =	smov.u32 s24;
	v4 =	vld [tilespmem:s29+$0x6400];
	v12 =	vand.u32 $0xFFFF0000, v13;
	v10 =	vpop (erf);
	v11 =	vmov v2  }
0xbf: {  	s24 =	smov.u32 s29;
	v8 =	vadd.f32 v12, v5;
	v9 =	vmul.f32 $1.442695020e+00, v7;
	v2 =	vld [tilespmem:s31+$0x7D00];
	v6 =	vpop (erf)  }
0xc0: {  	v7 =	vadd.f32 $1.000000000e+00, v10;
	v5 =	vld [tilespmem:s24+$0x4B00];
	[tilespmem:s2+$0xC800] =	vst v6;
	v6 =	vmul.f32 v6, v11  }
0xc1: {  	vm0 =	vlt.s32 v3, $0x7C000  }
0xc2: {  	v3 =	vld [tilespmem:s24+$0x9600];
	v10 =	vsel vm0, $0x10, v0  }
0xc3: {  	v4 =	vshll.u32 v4, v10  }
0xc4: {  	v4 =	vand.u32 $0xFFFF0000, v4  }
0xc5: {  	v1 =	vadd.f32 v8, v1;
	v4 =	vadd.f32 v4, v5  }
0xc6: {  	(erf) = vpow2.f32 v9  }
0xc7: {  	v1 =	vsub.f32 $0.0e+00, v1;
	v3 =	vadd.f32 v4, v3  }
0xc8: {  	(erf) = vrcp.f32 v7  }
0xc9: {  	v60 =	vpop (erf);
	v1 =	vmul.f32 $1.442695020e+00, v1;
	v3 =	vsub.f32 $0.0e+00, v3  }
0xca: {  	v4 =	vadd.f32 $1.000000000e+00, v60  }
0xcb: {  	(erf) = vpow2.f32 v1;
	v1 =	vmul.f32 $1.442695020e+00, v3  }
0xcc: {  	[tilespmem:s2+$0xAF00] =	vst v6;
	(erf) = vrcp.f32 v4  }
0xcd: {  	v3 =	vpop (erf);
	(erf) = vpow2.f32 v1;
	v1 =	vld [tilespmem:s0+$0x7D00];
	_ =	sdelay $0x1  }
0xce: {  	v61 =	vpop (erf)  }
0xcf: {  	v4 =	vadd.f32 $1.000000000e+00, v61  }
0xd0: {  	v2 =	vmul.f32 v3, v2;
	[tilespmem:s31+$0xC800] =	vst v3;
	v3 =	vpop (erf)  }
0xd1: {  	(erf) = vrcp.f32 v4;
	v1 =	vmul.f32 v3, v1;
	_ =	sdelay $0x1  }
0xd2: {  	[tilespmem:s31+$0xAF00] =	vst v2  }
0xd3: {  	v2 =	vld [tilespmem:s21+$0x7D00];
	[tilespmem:s0+$0xC800] =	vst v3;
	v3 =	vpop (erf)  }
0xd4: {  	v3 =	vadd.f32 $1.000000000e+00, v3;
	[tilespmem:s0+$0xAF00] =	vst v1;
	v1 =	vpop (erf)  }
0xd5: {  	v62 =	vld [tilespmem:s19+$0x7D00];
	v63 =	vpop (erf)  }
0xd6: {  	(erf) = vrcp.f32 v3;
	v3 =	vadd.f32 $1.000000000e+00, v63;
	_ =	sdelay $0x1  }
0xd7: {  	v2 =	vmul.f32 v1, v2;
	(erf) = vrcp.f32 v3  }
0xd8: {  	[tilespmem:s21+$0xC800] =	vst v1;
	v1 =	vpop (erf)  }
0xd9: {  	[tilespmem:s21+$0xAF00] =	vst v2;
	v3 =	vmul.f32 v1, v62  }
0xda: {  	v2 =	vld [tilespmem:s22+$0x7D00];
	[tilespmem:s19+$0xC800] =	vst v1  }
0xdb: {  	[tilespmem:s19+$0xAF00] =	vst v3  }
0xdc: {  	v1 =	vld [tilespmem:s24+$0x7D00];
	_ =	sdelay $0x1  }
0xdd: {  	v3 =	vpop (erf)  }
0xde: {  	v2 =	vmul.f32 v3, v2  }
0xdf: {  	[tilespmem:s22+$0xC800] =	vst v3;
	v3 =	vpop (erf)  }
0xe0: {  	[tilespmem:s22+$0xAF00] =	vst v2;
	v1 =	vmul.f32 v3, v1  }
0xe1: {  	[tilespmem:s24+$0xC800] =	vst v3  }
0xe2: {  	s29 =	simm.s32 $0xAF00;
	[tilespmem:s24+$0xAF00] =	vst v1  }
0xe3: {  	[hbm4b:s13+s4] =	stream.linear.scatter [tilespmem:s29], [sflag:$0x3], $0x1900, $0x38;
	[tilespmem:$0x17600] =	vst v63  }
0xe4: {  	s30 =	sadd.s32 $0x1, s30;
	_ =	swait.ge [sflag:s17], $0x1900  }
0xe5: {  	p0 =	sne.s32 s30, s15;
	[sflag:s17] =	ssyncset.done $0x0  }
.Ltmp1:
0xe6: {  	s31 =	simm.s32 $0xC800;
	[sflag:s17] =	ssyncadd.s32 $0xFFFFE700;
	(pc) =	sbr.rel @p0 .LBB2_1-.Ltmp1, $4  }
0xe7: {  	[hbm4b:s14+s4] =	stream.linear.scatter [tilespmem:s31], [sflag:$0x3], $0x1900, $0x38;
	[tilespmem:$0x17600] =	vst v63  }
0xe8: {  	_ =	swait.ge [sflag:s17], $0x1900  }
0xe9: {  	[sflag:s17] =	ssyncset.done $0x0  }
0xea: {  	[sflag:s17] =	ssyncadd.s32 $0xFFFFE700  }
0xeb: {  	_ =	sfence.sel $0x180000  }
0xec: {  	[bflag:$0x0] =	sbarrier.arrive $0xFFFF  }
0xed: {  	_ =	strace $0x9000004A  }
0xee: {  	s0 =	stileid.u32;
	[bflag:$0x2] =	sbarrier.arrive $0xFFFF  }
0xef: {  	p0 =	sne.s32 s0, $0x0;
	s0 =	rddreg [dreg:$0x5]  }
0xf0: {  	s0 =	sadd.s32 @!p0 $0x100000, s0  }
0xf1: {  	[sflag:s0] =	ssyncadd.tile.s32 @!p0 $0x1;
	_ =	shalt  }
.Lfunc_end2:
_tile_overlayer_lowered:
.L_overlay_start_2:
0xf2: {  	(tag) =	ssettag $0x2  }
0xf3: {  	s0 =	rddreg [dreg:$0x0];
	s2 =	stileid.u32  }
0xf4: {  	s1 =	rddreg [dreg:$0x1];
	p0 =	sne.s32 s2, $0x0  }
0xf5: {  	s3 =	rddreg [dreg:$0x2];
	[bflag:$0x3] =	sbarrier.arrive $0xFFFF;
	s2 =	simm.s32 @!p0 $0x1C03  }
0xf6: {  	[timem:s3], [sflag:s2] =	dma.local @!p0 [hbm:s0], s1  }
0xf7: {  	s0 =	simm.s32 @!p0 $0x3  }
0xf8: {  	_ =	swait.ge @!p0 [sflag:s0], s1  }
0xf9: {  	s1 =	ssub.s32 @!p0 $0x0, s1;
	[sflag:s0] =	ssyncset.done @!p0 $0x0  }
0xfa: {  	[sflag:s0] =	ssyncadd.s32 @!p0 s1  }
0xfb: {  	[bflag:$0x3] =	sbarrier.arrive $0xFFFF  }
0xfc: {  	_ =	shalt  }

</sc_bundles>
